<compile_context>
chip_gen: v7x
topology: tpu7x:2x2x1
jax: 0.10.2.dev20260603
libtpu: 0.0.44.dev20260713+nightly
codegen_flags: <defaults>
</compile_context>

<pallas_src>
import functools

import jax
import jax.numpy as jnp
from jax import lax
from jax.experimental import pallas as pl
from jax.experimental.pallas import tpu as pltpu
from jax.experimental.pallas import tpu_sc as plsc

_VOCAB = 1000000
_D = 100
_DP = 104
_B = 16384
_S = 40

_NC, _NS = 2, 16
_NW = _NC * _NS
_BPW = _B // _NW
_G = 8
_NGROUPS = _BPW // _G
_RPG = _G * _S
_CHUNK = 80
_NCH = _RPG // _CHUNK
_XROWS_PER_W = _BPW * _S // _CHUNK

_LANES = 16
_OFFS = (0, 16, 32, 48, 64, 80, 84)


def _gather_group(x_hbm, table_hbm, idx_ref, rows_ref, sem, xrow):
    pltpu.sync_copy(x_hbm.at[pl.ds(xrow, _NCH)], idx_ref)
    for c in range(_NCH):
        pltpu.async_copy(
            table_hbm.at[idx_ref.at[c]],
            rows_ref.at[pl.ds(c * _CHUNK, _CHUNK)],
            sem,
        )


def _wait_group(table_hbm, idx_ref, rows_ref, sem):
    for c in range(_NCH):
        pltpu.make_async_copy(
            table_hbm.at[idx_ref.at[c]],
            rows_ref.at[pl.ds(c * _CHUNK, _CHUNK)],
            sem,
        ).wait()


def _compute_group(rows_ref, out_ref):
    inv = jnp.full((_LANES,), 1.0 / _S, dtype=jnp.float32)

    def batch_body(b, carry):
        base = b * _S

        def s_body(s, accs):
            r = base + s
            return tuple(
                accs[j] + rows_ref[r, pl.ds(_OFFS[j], _LANES)]
                for j in range(len(_OFFS))
            )

        zeros = tuple(
            jnp.zeros((_LANES,), jnp.float32) for _ in range(len(_OFFS))
        )
        accs = lax.fori_loop(0, _S, s_body, zeros)
        for j in range(len(_OFFS)):
            out_ref[pl.ds(b * _D + _OFFS[j], _LANES)] = accs[j] * inv
        return carry

    lax.fori_loop(0, _G, batch_body, 0)


def _swem_body(x_hbm, table_hbm, out_hbm, idx_v, rows_v, out_v, sem0, sem1):
    wid = lax.axis_index("s") * _NC + lax.axis_index("c")
    xrow0 = wid * _XROWS_PER_W
    b0 = wid * _BPW
    sems = (sem0, sem1)

    for slot in range(2):
        _gather_group(
            x_hbm, table_hbm, idx_v.at[slot], rows_v.at[slot], sems[slot],
            xrow0 + slot * _NCH,
        )

    def loop_body(k, carry):
        g2 = k * 2
        for slot in range(2):
            g = g2 + slot
            _wait_group(table_hbm, idx_v.at[slot], rows_v.at[slot], sems[slot])
            _compute_group(rows_v.at[slot], out_v)
            pltpu.sync_copy(
                out_v, out_hbm.at[pl.ds((b0 + g * _G) * _D, _G * _D)])

            @pl.when(g + 2 < _NGROUPS)
            def _():
                _gather_group(
                    x_hbm, table_hbm, idx_v.at[slot], rows_v.at[slot],
                    sems[slot], xrow0 + (g + 2) * _NCH,
                )

        return carry

    lax.fori_loop(0, _NGROUPS // 2, loop_body, 0)


@jax.jit
def kernel(x, lengths, table):
    del lengths
    x2 = x.astype(jnp.int32).reshape(_B * _S // _CHUNK, _CHUNK)
    tpad = jnp.concatenate(
        [table, jnp.zeros((_VOCAB, _DP - _D), jnp.float32)], axis=1)

    mesh = plsc.VectorSubcoreMesh(core_axis_name="c", subcore_axis_name="s")
    fn = pl.kernel(
        _swem_body,
        out_type=jax.ShapeDtypeStruct((_B * _D,), jnp.float32),
        mesh=mesh,
        scratch_types=[
            pltpu.VMEM((2, _NCH, _CHUNK), jnp.int32),
            pltpu.VMEM((2, _RPG, _DP), jnp.float32),
            pltpu.VMEM((_G * _D,), jnp.float32),
            pltpu.SemaphoreType.DMA,
            pltpu.SemaphoreType.DMA,
        ],
        compiler_params=pltpu.CompilerParams(use_tc_tiling_on_sc=False),
    )
    return fn(x2, tpad).reshape(_B, _D)

# --- scband reference (transcript-rebuilt; emitter-appended) ---
"""Pipeline reference for scband-swem-25185688223843 (READ-ONLY COPY).

The authoritative reference and input builder live on the scoring server;
editing this copy changes nothing except your own understanding.
"""

import jax, jax.numpy as jnp
import numpy as np

VOCAB = 1000000
EMBEDDING_DIM = 100
PAD = 1
BATCH = 16384
SEQ = 40

def setup_inputs(seed: int = 0) -> dict:
    key = jax.random.key(seed)
    k1, k2, k3 = jax.random.split(key, 3)
    x = jax.random.randint(k1, (BATCH, SEQ), 0, VOCAB, dtype=jnp.int64 if jax.config.jax_enable_x64 else jnp.int32)
    lengths = jax.random.randint(k2, (BATCH,), 1, SEQ, dtype=jnp.int32)
    table = jax.random.normal(k3, (VOCAB, EMBEDDING_DIM), dtype=jnp.float32) * 0.02
    # nn.Embedding padding_idx=PAD: padding row is zero
    table = table.at[PAD].set(0.0)
    return {"x": x, "lengths": lengths, "table": table}

def reference(x, lengths, table):
    # SWEm.forward: x = self.emb(x); return x.mean(1)
    emb = jnp.take(table, x, axis=0)  # [B, L, D] gather
    return emb.mean(axis=1)  # [B, D]

if __name__ == "__main__":
    import jax
    _d = setup_inputs()
    print(jax.jit(kernel)(*tuple(_d.values())))

</pallas_src>

<mosaic_0001>
#map = affine_map<(d0, d1) -> (0, 0)>
#map1 = affine_map<(d0, d1) -> (0)>
module attributes {stable_mosaic.version = 14 : i64} {
  func.func @_swem_body(%arg0: i32, %arg1: i32, %arg2: memref<8192x80xi32, #tpu.memory_space<hbm>>, %arg3: memref<1000000x104xf32, #tpu.memory_space<hbm>>, %arg4: memref<1638400xf32, #tpu.memory_space<hbm>>, %arg5: memref<2x4x80xi32, #tpu.memory_space<vmem>>, %arg6: memref<2x320x104xf32, #tpu.memory_space<vmem>>, %arg7: memref<800xf32, #tpu.memory_space<vmem>>, %arg8: memref<!tpu.dma_semaphore, #tpu.memory_space<semaphore_mem>>, %arg9: memref<!tpu.dma_semaphore, #tpu.memory_space<semaphore_mem>>) attributes {dimension_semantics = [#tpu.dimension_semantics<core_parallel>, #tpu.dimension_semantics<subcore_parallel>], iteration_bounds = array<i64: 2, 16>, scalar_prefetch = 0 : i64, scratch_operands = 5 : i64, tpu.core_type = #tpu.core_type<sc_vector_subcore>, window_params = [{transform_indices = #map}, {transform_indices = #map}, {transform_indices = #map1}]} {
    %mul3A = arith.constant 2 : i32
    %mul3A_0 = arith.muli %arg1, %mul3A : i32
    %add3A = arith.addi %mul3A_0, %arg0 : i32
    %mul3A_1 = arith.constant 256 : i32
    %mul3A_2 = arith.muli %add3A, %mul3A_1 : i32
    %mul3A_3 = arith.constant 512 : i32
    %mul3A_4 = arith.muli %add3A, %mul3A_3 : i32
    %add3A_5 = arith.constant 0 : i32
    %add3A_6 = arith.addi %mul3A_2, %add3A_5 : i32
    %run_scoped3A = arith.constant 0 : i32
    "tpu.region"() ({
      %run_scoped3A_174 = tpu.sem_alloc : memref<!tpu.dma_semaphore, #tpu.memory_space<semaphore_mem>>
      %dma_start3A_175 = arith.constant 0 : i32
      %dma_start3A_176 = arith.constant 0 : i32
      %dma_start3A_177 = tpu.memref_slice %arg5[%run_scoped3A, %dma_start3A_175, %dma_start3A_176] : memref<2x4x80xi32, #tpu.memory_space<vmem>> -> memref<1x4x80xi32, #tpu.memory_space<vmem>>
      %dma_start3A_178 = tpu.memref_squeeze %dma_start3A_177 : memref<1x4x80xi32, #tpu.memory_space<vmem>> -> memref<4x80xi32, #tpu.memory_space<vmem>>
      %dma_start3A_179 = arith.constant 0 : i32
      %dma_start3A_180 = tpu.memref_slice %arg2[%add3A_6, %dma_start3A_179] : memref<8192x80xi32, #tpu.memory_space<hbm>> -> memref<4x80xi32, #tpu.memory_space<hbm>>
      %dma_start3A_181 = arith.constant 0 : i32
      %dma_start3A_182 = arith.constant 0 : i32
      %dma_start3A_183 = tpu.memref_slice %arg5[%run_scoped3A, %dma_start3A_181, %dma_start3A_182] : memref<2x4x80xi32, #tpu.memory_space<vmem>> -> memref<1x4x80xi32, #tpu.memory_space<vmem>>
      %dma_start3A_184 = tpu.memref_squeeze %dma_start3A_183 : memref<1x4x80xi32, #tpu.memory_space<vmem>> -> memref<4x80xi32, #tpu.memory_space<vmem>>
      %dma_start3A_185 = arith.constant 0 : i32
      %dma_start3A_186 = tpu.memref_slice %arg2[%add3A_6, %dma_start3A_185] : memref<8192x80xi32, #tpu.memory_space<hbm>> -> memref<4x80xi32, #tpu.memory_space<hbm>>
      tpu.enqueue_dma source(%dma_start3A_186 : memref<4x80xi32, #tpu.memory_space<hbm>>) target(%dma_start3A_184 : memref<4x80xi32, #tpu.memory_space<vmem>>) target_semaphore(%run_scoped3A_174 : memref<!tpu.dma_semaphore, #tpu.memory_space<semaphore_mem>>)
      %dma_wait3A = arith.constant 0 : i32
      %dma_wait3A_187 = arith.constant 0 : i32
      %dma_wait3A_188 = tpu.memref_slice %arg5[%run_scoped3A, %dma_wait3A, %dma_wait3A_187] : memref<2x4x80xi32, #tpu.memory_space<vmem>> -> memref<1x4x80xi32, #tpu.memory_space<vmem>>
      %dma_wait3A_189 = tpu.memref_squeeze %dma_wait3A_188 : memref<1x4x80xi32, #tpu.memory_space<vmem>> -> memref<4x80xi32, #tpu.memory_space<vmem>>
      %dma_wait3A_190 = arith.constant 0 : i32
      %dma_wait3A_191 = tpu.memref_slice %arg2[%add3A_6, %dma_wait3A_190] : memref<8192x80xi32, #tpu.memory_space<hbm>> -> memref<4x80xi32, #tpu.memory_space<hbm>>
      %dma_wait3A_192 = arith.constant 0 : i32
      %dma_wait3A_193 = arith.constant 0 : i32
      %dma_wait3A_194 = tpu.memref_slice %arg5[%run_scoped3A, %dma_wait3A_192, %dma_wait3A_193] : memref<2x4x80xi32, #tpu.memory_space<vmem>> -> memref<1x4x80xi32, #tpu.memory_space<vmem>>
      %dma_wait3A_195 = tpu.memref_squeeze %dma_wait3A_194 : memref<1x4x80xi32, #tpu.memory_space<vmem>> -> memref<4x80xi32, #tpu.memory_space<vmem>>
      %dma_wait3A_196 = arith.constant 0 : i32
      %dma_wait3A_197 = tpu.memref_slice %arg2[%add3A_6, %dma_wait3A_196] : memref<8192x80xi32, #tpu.memory_space<hbm>> -> memref<4x80xi32, #tpu.memory_space<hbm>>
      tpu.wait_dma2 semaphore(%run_scoped3A_174 : memref<!tpu.dma_semaphore, #tpu.memory_space<semaphore_mem>>) src(%dma_wait3A_197 : memref<4x80xi32, #tpu.memory_space<hbm>>) dst(%dma_wait3A_195 : memref<4x80xi32, #tpu.memory_space<vmem>>)
      tpu.yield
    }) : () -> ()
    %dma_start3A = arith.constant 0 : i32
    %dma_start3A_7 = arith.constant 0 : i32
    %dma_start3A_8 = arith.constant 0 : i32
    %dma_start3A_9 = arith.constant 0 : i32
    %dma_start3A_10 = arith.constant 0 : i32
    %dma_start3A_11 = tpu.memref_slice %arg6[%dma_start3A_8, %dma_start3A_9, %dma_start3A_10] : memref<2x320x104xf32, #tpu.memory_space<vmem>> -> memref<1x320x104xf32, #tpu.memory_space<vmem>>
    %dma_start3A_12 = tpu.memref_squeeze %dma_start3A_11 : memref<1x320x104xf32, #tpu.memory_space<vmem>> -> memref<320x104xf32, #tpu.memory_space<vmem>>
    %dma_start3A_13 = arith.constant 0 : i32
    %dma_start3A_14 = arith.constant 0 : i32
    %dma_start3A_15 = tpu.memref_slice %dma_start3A_12[%dma_start3A_13, %dma_start3A_14] : memref<320x104xf32, #tpu.memory_space<vmem>> -> memref<80x104xf32, #tpu.memory_space<vmem>>
    %dma_start3A_16 = arith.constant 0 : i32
    %dma_start3A_17 = arith.constant 0 : i32
    %dma_start3A_18 = tpu.memref_slice %arg5[%dma_start3A, %dma_start3A_16, %dma_start3A_17] : memref<2x4x80xi32, #tpu.memory_space<vmem>> -> memref<1x4x80xi32, #tpu.memory_space<vmem>>
    %dma_start3A_19 = tpu.memref_squeeze %dma_start3A_18 : memref<1x4x80xi32, #tpu.memory_space<vmem>> -> memref<4x80xi32, #tpu.memory_space<vmem>>
    %dma_start3A_20 = arith.constant 0 : i32
    %dma_start3A_21 = tpu.memref_slice %dma_start3A_19[%dma_start3A_7, %dma_start3A_20] : memref<4x80xi32, #tpu.memory_space<vmem>> -> memref<1x80xi32, #tpu.memory_space<vmem>>
    %dma_start3A_22 = tpu.memref_squeeze %dma_start3A_21 : memref<1x80xi32, #tpu.memory_space<vmem>> -> memref<80xi32, #tpu.memory_space<vmem>>
    %dma_start3A_23 = arith.constant 0 : i32
    %dma_start3A_24 = arith.constant 0 : i32
    %dma_start3A_25 = tpu.memref_slice %arg3[%dma_start3A_23, %dma_start3A_24] : memref<1000000x104xf32, #tpu.memory_space<hbm>> -> memref<1000000x104xf32, #tpu.memory_space<hbm>>
    tpu.enqueue_indirect_dma source(%dma_start3A_25 : memref<1000000x104xf32, #tpu.memory_space<hbm>>) target(%dma_start3A_15 : memref<80x104xf32, #tpu.memory_space<vmem>>) offsets(%dma_start3A_22 : memref<80xi32, #tpu.memory_space<vmem>>) semaphore(%arg8 : memref<!tpu.dma_semaphore, #tpu.memory_space<semaphore_mem>>)
    %dma_start3A_26 = arith.constant 0 : i32
    %dma_start3A_27 = arith.constant 1 : i32
    %dma_start3A_28 = arith.constant 0 : i32
    %dma_start3A_29 = arith.constant 0 : i32
    %dma_start3A_30 = arith.constant 0 : i32
    %dma_start3A_31 = tpu.memref_slice %arg6[%dma_start3A_28, %dma_start3A_29, %dma_start3A_30] : memref<2x320x104xf32, #tpu.memory_space<vmem>> -> memref<1x320x104xf32, #tpu.memory_space<vmem>>
    %dma_start3A_32 = tpu.memref_squeeze %dma_start3A_31 : memref<1x320x104xf32, #tpu.memory_space<vmem>> -> memref<320x104xf32, #tpu.memory_space<vmem>>
    %dma_start3A_33 = arith.constant 80 : i32
    %dma_start3A_34 = arith.constant 0 : i32
    %dma_start3A_35 = tpu.memref_slice %dma_start3A_32[%dma_start3A_33, %dma_start3A_34] : memref<320x104xf32, #tpu.memory_space<vmem>> -> memref<80x104xf32, #tpu.memory_space<vmem>>
    %dma_start3A_36 = arith.constant 0 : i32
    %dma_start3A_37 = arith.constant 0 : i32
    %dma_start3A_38 = tpu.memref_slice %arg5[%dma_start3A_26, %dma_start3A_36, %dma_start3A_37] : memref<2x4x80xi32, #tpu.memory_space<vmem>> -> memref<1x4x80xi32, #tpu.memory_space<vmem>>
    %dma_start3A_39 = tpu.memref_squeeze %dma_start3A_38 : memref<1x4x80xi32, #tpu.memory_space<vmem>> -> memref<4x80xi32, #tpu.memory_space<vmem>>
    %dma_start3A_40 = arith.constant 0 : i32
    %dma_start3A_41 = tpu.memref_slice %dma_start3A_39[%dma_start3A_27, %dma_start3A_40] : memref<4x80xi32, #tpu.memory_space<vmem>> -> memref<1x80xi32, #tpu.memory_space<vmem>>
    %dma_start3A_42 = tpu.memref_squeeze %dma_start3A_41 : memref<1x80xi32, #tpu.memory_space<vmem>> -> memref<80xi32, #tpu.memory_space<vmem>>
    %dma_start3A_43 = arith.constant 0 : i32
    %dma_start3A_44 = arith.constant 0 : i32
    %dma_start3A_45 = tpu.memref_slice %arg3[%dma_start3A_43, %dma_start3A_44] : memref<1000000x104xf32, #tpu.memory_space<hbm>> -> memref<1000000x104xf32, #tpu.memory_space<hbm>>
    tpu.enqueue_indirect_dma source(%dma_start3A_45 : memref<1000000x104xf32, #tpu.memory_space<hbm>>) target(%dma_start3A_35 : memref<80x104xf32, #tpu.memory_space<vmem>>) offsets(%dma_start3A_42 : memref<80xi32, #tpu.memory_space<vmem>>) semaphore(%arg8 : memref<!tpu.dma_semaphore, #tpu.memory_space<semaphore_mem>>)
    %dma_start3A_46 = arith.constant 0 : i32
    %dma_start3A_47 = arith.constant 2 : i32
    %dma_start3A_48 = arith.constant 0 : i32
    %dma_start3A_49 = arith.constant 0 : i32
    %dma_start3A_50 = arith.constant 0 : i32
    %dma_start3A_51 = tpu.memref_slice %arg6[%dma_start3A_48, %dma_start3A_49, %dma_start3A_50] : memref<2x320x104xf32, #tpu.memory_space<vmem>> -> memref<1x320x104xf32, #tpu.memory_space<vmem>>
    %dma_start3A_52 = tpu.memref_squeeze %dma_start3A_51 : memref<1x320x104xf32, #tpu.memory_space<vmem>> -> memref<320x104xf32, #tpu.memory_space<vmem>>
    %dma_start3A_53 = arith.constant 160 : i32
    %dma_start3A_54 = arith.constant 0 : i32
    %dma_start3A_55 = tpu.memref_slice %dma_start3A_52[%dma_start3A_53, %dma_start3A_54] : memref<320x104xf32, #tpu.memory_space<vmem>> -> memref<80x104xf32, #tpu.memory_space<vmem>>
    %dma_start3A_56 = arith.constant 0 : i32
    %dma_start3A_57 = arith.constant 0 : i32
    %dma_start3A_58 = tpu.memref_slice %arg5[%dma_start3A_46, %dma_start3A_56, %dma_start3A_57] : memref<2x4x80xi32, #tpu.memory_space<vmem>> -> memref<1x4x80xi32, #tpu.memory_space<vmem>>
    %dma_start3A_59 = tpu.memref_squeeze %dma_start3A_58 : memref<1x4x80xi32, #tpu.memory_space<vmem>> -> memref<4x80xi32, #tpu.memory_space<vmem>>
    %dma_start3A_60 = arith.constant 0 : i32
    %dma_start3A_61 = tpu.memref_slice %dma_start3A_59[%dma_start3A_47, %dma_start3A_60] : memref<4x80xi32, #tpu.memory_space<vmem>> -> memref<1x80xi32, #tpu.memory_space<vmem>>
    %dma_start3A_62 = tpu.memref_squeeze %dma_start3A_61 : memref<1x80xi32, #tpu.memory_space<vmem>> -> memref<80xi32, #tpu.memory_space<vmem>>
    %dma_start3A_63 = arith.constant 0 : i32
    %dma_start3A_64 = arith.constant 0 : i32
    %dma_start3A_65 = tpu.memref_slice %arg3[%dma_start3A_63, %dma_start3A_64] : memref<1000000x104xf32, #tpu.memory_space<hbm>> -> memref<1000000x104xf32, #tpu.memory_space<hbm>>
    tpu.enqueue_indirect_dma source(%dma_start3A_65 : memref<1000000x104xf32, #tpu.memory_space<hbm>>) target(%dma_start3A_55 : memref<80x104xf32, #tpu.memory_space<vmem>>) offsets(%dma_start3A_62 : memref<80xi32, #tpu.memory_space<vmem>>) semaphore(%arg8 : memref<!tpu.dma_semaphore, #tpu.memory_space<semaphore_mem>>)
    %dma_start3A_66 = arith.constant 0 : i32
    %dma_start3A_67 = arith.constant 3 : i32
    %dma_start3A_68 = arith.constant 0 : i32
    %dma_start3A_69 = arith.constant 0 : i32
    %dma_start3A_70 = arith.constant 0 : i32
    %dma_start3A_71 = tpu.memref_slice %arg6[%dma_start3A_68, %dma_start3A_69, %dma_start3A_70] : memref<2x320x104xf32, #tpu.memory_space<vmem>> -> memref<1x320x104xf32, #tpu.memory_space<vmem>>
    %dma_start3A_72 = tpu.memref_squeeze %dma_start3A_71 : memref<1x320x104xf32, #tpu.memory_space<vmem>> -> memref<320x104xf32, #tpu.memory_space<vmem>>
    %dma_start3A_73 = arith.constant 240 : i32
    %dma_start3A_74 = arith.constant 0 : i32
    %dma_start3A_75 = tpu.memref_slice %dma_start3A_72[%dma_start3A_73, %dma_start3A_74] : memref<320x104xf32, #tpu.memory_space<vmem>> -> memref<80x104xf32, #tpu.memory_space<vmem>>
    %dma_start3A_76 = arith.constant 0 : i32
    %dma_start3A_77 = arith.constant 0 : i32
    %dma_start3A_78 = tpu.memref_slice %arg5[%dma_start3A_66, %dma_start3A_76, %dma_start3A_77] : memref<2x4x80xi32, #tpu.memory_space<vmem>> -> memref<1x4x80xi32, #tpu.memory_space<vmem>>
    %dma_start3A_79 = tpu.memref_squeeze %dma_start3A_78 : memref<1x4x80xi32, #tpu.memory_space<vmem>> -> memref<4x80xi32, #tpu.memory_space<vmem>>
    %dma_start3A_80 = arith.constant 0 : i32
    %dma_start3A_81 = tpu.memref_slice %dma_start3A_79[%dma_start3A_67, %dma_start3A_80] : memref<4x80xi32, #tpu.memory_space<vmem>> -> memref<1x80xi32, #tpu.memory_space<vmem>>
    %dma_start3A_82 = tpu.memref_squeeze %dma_start3A_81 : memref<1x80xi32, #tpu.memory_space<vmem>> -> memref<80xi32, #tpu.memory_space<vmem>>
    %dma_start3A_83 = arith.constant 0 : i32
    %dma_start3A_84 = arith.constant 0 : i32
    %dma_start3A_85 = tpu.memref_slice %arg3[%dma_start3A_83, %dma_start3A_84] : memref<1000000x104xf32, #tpu.memory_space<hbm>> -> memref<1000000x104xf32, #tpu.memory_space<hbm>>
    tpu.enqueue_indirect_dma source(%dma_start3A_85 : memref<1000000x104xf32, #tpu.memory_space<hbm>>) target(%dma_start3A_75 : memref<80x104xf32, #tpu.memory_space<vmem>>) offsets(%dma_start3A_82 : memref<80xi32, #tpu.memory_space<vmem>>) semaphore(%arg8 : memref<!tpu.dma_semaphore, #tpu.memory_space<semaphore_mem>>)
    %add3A_86 = arith.constant 4 : i32
    %add3A_87 = arith.addi %mul3A_2, %add3A_86 : i32
    %run_scoped3A_88 = arith.constant 1 : i32
    "tpu.region"() ({
      %run_scoped3A_174 = tpu.sem_alloc : memref<!tpu.dma_semaphore, #tpu.memory_space<semaphore_mem>>
      %dma_start3A_175 = arith.constant 0 : i32
      %dma_start3A_176 = arith.constant 0 : i32
      %dma_start3A_177 = tpu.memref_slice %arg5[%run_scoped3A_88, %dma_start3A_175, %dma_start3A_176] : memref<2x4x80xi32, #tpu.memory_space<vmem>> -> memref<1x4x80xi32, #tpu.memory_space<vmem>>
      %dma_start3A_178 = tpu.memref_squeeze %dma_start3A_177 : memref<1x4x80xi32, #tpu.memory_space<vmem>> -> memref<4x80xi32, #tpu.memory_space<vmem>>
      %dma_start3A_179 = arith.constant 0 : i32
      %dma_start3A_180 = tpu.memref_slice %arg2[%add3A_87, %dma_start3A_179] : memref<8192x80xi32, #tpu.memory_space<hbm>> -> memref<4x80xi32, #tpu.memory_space<hbm>>
      %dma_start3A_181 = arith.constant 0 : i32
      %dma_start3A_182 = arith.constant 0 : i32
      %dma_start3A_183 = tpu.memref_slice %arg5[%run_scoped3A_88, %dma_start3A_181, %dma_start3A_182] : memref<2x4x80xi32, #tpu.memory_space<vmem>> -> memref<1x4x80xi32, #tpu.memory_space<vmem>>
      %dma_start3A_184 = tpu.memref_squeeze %dma_start3A_183 : memref<1x4x80xi32, #tpu.memory_space<vmem>> -> memref<4x80xi32, #tpu.memory_space<vmem>>
      %dma_start3A_185 = arith.constant 0 : i32
      %dma_start3A_186 = tpu.memref_slice %arg2[%add3A_87, %dma_start3A_185] : memref<8192x80xi32, #tpu.memory_space<hbm>> -> memref<4x80xi32, #tpu.memory_space<hbm>>
      tpu.enqueue_dma source(%dma_start3A_186 : memref<4x80xi32, #tpu.memory_space<hbm>>) target(%dma_start3A_184 : memref<4x80xi32, #tpu.memory_space<vmem>>) target_semaphore(%run_scoped3A_174 : memref<!tpu.dma_semaphore, #tpu.memory_space<semaphore_mem>>)
      %dma_wait3A = arith.constant 0 : i32
      %dma_wait3A_187 = arith.constant 0 : i32
      %dma_wait3A_188 = tpu.memref_slice %arg5[%run_scoped3A_88, %dma_wait3A, %dma_wait3A_187] : memref<2x4x80xi32, #tpu.memory_space<vmem>> -> memref<1x4x80xi32, #tpu.memory_space<vmem>>
      %dma_wait3A_189 = tpu.memref_squeeze %dma_wait3A_188 : memref<1x4x80xi32, #tpu.memory_space<vmem>> -> memref<4x80xi32, #tpu.memory_space<vmem>>
      %dma_wait3A_190 = arith.constant 0 : i32
      %dma_wait3A_191 = tpu.memref_slice %arg2[%add3A_87, %dma_wait3A_190] : memref<8192x80xi32, #tpu.memory_space<hbm>> -> memref<4x80xi32, #tpu.memory_space<hbm>>
      %dma_wait3A_192 = arith.constant 0 : i32
      %dma_wait3A_193 = arith.constant 0 : i32
      %dma_wait3A_194 = tpu.memref_slice %arg5[%run_scoped3A_88, %dma_wait3A_192, %dma_wait3A_193] : memref<2x4x80xi32, #tpu.memory_space<vmem>> -> memref<1x4x80xi32, #tpu.memory_space<vmem>>
      %dma_wait3A_195 = tpu.memref_squeeze %dma_wait3A_194 : memref<1x4x80xi32, #tpu.memory_space<vmem>> -> memref<4x80xi32, #tpu.memory_space<vmem>>
      %dma_wait3A_196 = arith.constant 0 : i32
      %dma_wait3A_197 = tpu.memref_slice %arg2[%add3A_87, %dma_wait3A_196] : memref<8192x80xi32, #tpu.memory_space<hbm>> -> memref<4x80xi32, #tpu.memory_space<hbm>>
      tpu.wait_dma2 semaphore(%run_scoped3A_174 : memref<!tpu.dma_semaphore, #tpu.memory_space<semaphore_mem>>) src(%dma_wait3A_197 : memref<4x80xi32, #tpu.memory_space<hbm>>) dst(%dma_wait3A_195 : memref<4x80xi32, #tpu.memory_space<vmem>>)
      tpu.yield
    }) : () -> ()
    %dma_start3A_89 = arith.constant 1 : i32
    %dma_start3A_90 = arith.constant 0 : i32
    %dma_start3A_91 = arith.constant 1 : i32
    %dma_start3A_92 = arith.constant 0 : i32
    %dma_start3A_93 = arith.constant 0 : i32
    %dma_start3A_94 = tpu.memref_slice %arg6[%dma_start3A_91, %dma_start3A_92, %dma_start3A_93] : memref<2x320x104xf32, #tpu.memory_space<vmem>> -> memref<1x320x104xf32, #tpu.memory_space<vmem>>
    %dma_start3A_95 = tpu.memref_squeeze %dma_start3A_94 : memref<1x320x104xf32, #tpu.memory_space<vmem>> -> memref<320x104xf32, #tpu.memory_space<vmem>>
    %dma_start3A_96 = arith.constant 0 : i32
    %dma_start3A_97 = arith.constant 0 : i32
    %dma_start3A_98 = tpu.memref_slice %dma_start3A_95[%dma_start3A_96, %dma_start3A_97] : memref<320x104xf32, #tpu.memory_space<vmem>> -> memref<80x104xf32, #tpu.memory_space<vmem>>
    %dma_start3A_99 = arith.constant 0 : i32
    %dma_start3A_100 = arith.constant 0 : i32
    %dma_start3A_101 = tpu.memref_slice %arg5[%dma_start3A_89, %dma_start3A_99, %dma_start3A_100] : memref<2x4x80xi32, #tpu.memory_space<vmem>> -> memref<1x4x80xi32, #tpu.memory_space<vmem>>
    %dma_start3A_102 = tpu.memref_squeeze %dma_start3A_101 : memref<1x4x80xi32, #tpu.memory_space<vmem>> -> memref<4x80xi32, #tpu.memory_space<vmem>>
    %dma_start3A_103 = arith.constant 0 : i32
    %dma_start3A_104 = tpu.memref_slice %dma_start3A_102[%dma_start3A_90, %dma_start3A_103] : memref<4x80xi32, #tpu.memory_space<vmem>> -> memref<1x80xi32, #tpu.memory_space<vmem>>
    %dma_start3A_105 = tpu.memref_squeeze %dma_start3A_104 : memref<1x80xi32, #tpu.memory_space<vmem>> -> memref<80xi32, #tpu.memory_space<vmem>>
    %dma_start3A_106 = arith.constant 0 : i32
    %dma_start3A_107 = arith.constant 0 : i32
    %dma_start3A_108 = tpu.memref_slice %arg3[%dma_start3A_106, %dma_start3A_107] : memref<1000000x104xf32, #tpu.memory_space<hbm>> -> memref<1000000x104xf32, #tpu.memory_space<hbm>>
    tpu.enqueue_indirect_dma source(%dma_start3A_108 : memref<1000000x104xf32, #tpu.memory_space<hbm>>) target(%dma_start3A_98 : memref<80x104xf32, #tpu.memory_space<vmem>>) offsets(%dma_start3A_105 : memref<80xi32, #tpu.memory_space<vmem>>) semaphore(%arg9 : memref<!tpu.dma_semaphore, #tpu.memory_space<semaphore_mem>>)
    %dma_start3A_109 = arith.constant 1 : i32
    %dma_start3A_110 = arith.constant 1 : i32
    %dma_start3A_111 = arith.constant 1 : i32
    %dma_start3A_112 = arith.constant 0 : i32
    %dma_start3A_113 = arith.constant 0 : i32
    %dma_start3A_114 = tpu.memref_slice %arg6[%dma_start3A_111, %dma_start3A_112, %dma_start3A_113] : memref<2x320x104xf32, #tpu.memory_space<vmem>> -> memref<1x320x104xf32, #tpu.memory_space<vmem>>
    %dma_start3A_115 = tpu.memref_squeeze %dma_start3A_114 : memref<1x320x104xf32, #tpu.memory_space<vmem>> -> memref<320x104xf32, #tpu.memory_space<vmem>>
    %dma_start3A_116 = arith.constant 80 : i32
    %dma_start3A_117 = arith.constant 0 : i32
    %dma_start3A_118 = tpu.memref_slice %dma_start3A_115[%dma_start3A_116, %dma_start3A_117] : memref<320x104xf32, #tpu.memory_space<vmem>> -> memref<80x104xf32, #tpu.memory_space<vmem>>
    %dma_start3A_119 = arith.constant 0 : i32
    %dma_start3A_120 = arith.constant 0 : i32
    %dma_start3A_121 = tpu.memref_slice %arg5[%dma_start3A_109, %dma_start3A_119, %dma_start3A_120] : memref<2x4x80xi32, #tpu.memory_space<vmem>> -> memref<1x4x80xi32, #tpu.memory_space<vmem>>
    %dma_start3A_122 = tpu.memref_squeeze %dma_start3A_121 : memref<1x4x80xi32, #tpu.memory_space<vmem>> -> memref<4x80xi32, #tpu.memory_space<vmem>>
    %dma_start3A_123 = arith.constant 0 : i32
    %dma_start3A_124 = tpu.memref_slice %dma_start3A_122[%dma_start3A_110, %dma_start3A_123] : memref<4x80xi32, #tpu.memory_space<vmem>> -> memref<1x80xi32, #tpu.memory_space<vmem>>
    %dma_start3A_125 = tpu.memref_squeeze %dma_start3A_124 : memref<1x80xi32, #tpu.memory_space<vmem>> -> memref<80xi32, #tpu.memory_space<vmem>>
    %dma_start3A_126 = arith.constant 0 : i32
    %dma_start3A_127 = arith.constant 0 : i32
    %dma_start3A_128 = tpu.memref_slice %arg3[%dma_start3A_126, %dma_start3A_127] : memref<1000000x104xf32, #tpu.memory_space<hbm>> -> memref<1000000x104xf32, #tpu.memory_space<hbm>>
    tpu.enqueue_indirect_dma source(%dma_start3A_128 : memref<1000000x104xf32, #tpu.memory_space<hbm>>) target(%dma_start3A_118 : memref<80x104xf32, #tpu.memory_space<vmem>>) offsets(%dma_start3A_125 : memref<80xi32, #tpu.memory_space<vmem>>) semaphore(%arg9 : memref<!tpu.dma_semaphore, #tpu.memory_space<semaphore_mem>>)
    %dma_start3A_129 = arith.constant 1 : i32
    %dma_start3A_130 = arith.constant 2 : i32
    %dma_start3A_131 = arith.constant 1 : i32
    %dma_start3A_132 = arith.constant 0 : i32
    %dma_start3A_133 = arith.constant 0 : i32
    %dma_start3A_134 = tpu.memref_slice %arg6[%dma_start3A_131, %dma_start3A_132, %dma_start3A_133] : memref<2x320x104xf32, #tpu.memory_space<vmem>> -> memref<1x320x104xf32, #tpu.memory_space<vmem>>
    %dma_start3A_135 = tpu.memref_squeeze %dma_start3A_134 : memref<1x320x104xf32, #tpu.memory_space<vmem>> -> memref<320x104xf32, #tpu.memory_space<vmem>>
    %dma_start3A_136 = arith.constant 160 : i32
    %dma_start3A_137 = arith.constant 0 : i32
    %dma_start3A_138 = tpu.memref_slice %dma_start3A_135[%dma_start3A_136, %dma_start3A_137] : memref<320x104xf32, #tpu.memory_space<vmem>> -> memref<80x104xf32, #tpu.memory_space<vmem>>
    %dma_start3A_139 = arith.constant 0 : i32
    %dma_start3A_140 = arith.constant 0 : i32
    %dma_start3A_141 = tpu.memref_slice %arg5[%dma_start3A_129, %dma_start3A_139, %dma_start3A_140] : memref<2x4x80xi32, #tpu.memory_space<vmem>> -> memref<1x4x80xi32, #tpu.memory_space<vmem>>
    %dma_start3A_142 = tpu.memref_squeeze %dma_start3A_141 : memref<1x4x80xi32, #tpu.memory_space<vmem>> -> memref<4x80xi32, #tpu.memory_space<vmem>>
    %dma_start3A_143 = arith.constant 0 : i32
    %dma_start3A_144 = tpu.memref_slice %dma_start3A_142[%dma_start3A_130, %dma_start3A_143] : memref<4x80xi32, #tpu.memory_space<vmem>> -> memref<1x80xi32, #tpu.memory_space<vmem>>
    %dma_start3A_145 = tpu.memref_squeeze %dma_start3A_144 : memref<1x80xi32, #tpu.memory_space<vmem>> -> memref<80xi32, #tpu.memory_space<vmem>>
    %dma_start3A_146 = arith.constant 0 : i32
    %dma_start3A_147 = arith.constant 0 : i32
    %dma_start3A_148 = tpu.memref_slice %arg3[%dma_start3A_146, %dma_start3A_147] : memref<1000000x104xf32, #tpu.memory_space<hbm>> -> memref<1000000x104xf32, #tpu.memory_space<hbm>>
    tpu.enqueue_indirect_dma source(%dma_start3A_148 : memref<1000000x104xf32, #tpu.memory_space<hbm>>) target(%dma_start3A_138 : memref<80x104xf32, #tpu.memory_space<vmem>>) offsets(%dma_start3A_145 : memref<80xi32, #tpu.memory_space<vmem>>) semaphore(%arg9 : memref<!tpu.dma_semaphore, #tpu.memory_space<semaphore_mem>>)
    %dma_start3A_149 = arith.constant 1 : i32
    %dma_start3A_150 = arith.constant 3 : i32
    %dma_start3A_151 = arith.constant 1 : i32
    %dma_start3A_152 = arith.constant 0 : i32
    %dma_start3A_153 = arith.constant 0 : i32
    %dma_start3A_154 = tpu.memref_slice %arg6[%dma_start3A_151, %dma_start3A_152, %dma_start3A_153] : memref<2x320x104xf32, #tpu.memory_space<vmem>> -> memref<1x320x104xf32, #tpu.memory_space<vmem>>
    %dma_start3A_155 = tpu.memref_squeeze %dma_start3A_154 : memref<1x320x104xf32, #tpu.memory_space<vmem>> -> memref<320x104xf32, #tpu.memory_space<vmem>>
    %dma_start3A_156 = arith.constant 240 : i32
    %dma_start3A_157 = arith.constant 0 : i32
    %dma_start3A_158 = tpu.memref_slice %dma_start3A_155[%dma_start3A_156, %dma_start3A_157] : memref<320x104xf32, #tpu.memory_space<vmem>> -> memref<80x104xf32, #tpu.memory_space<vmem>>
    %dma_start3A_159 = arith.constant 0 : i32
    %dma_start3A_160 = arith.constant 0 : i32
    %dma_start3A_161 = tpu.memref_slice %arg5[%dma_start3A_149, %dma_start3A_159, %dma_start3A_160] : memref<2x4x80xi32, #tpu.memory_space<vmem>> -> memref<1x4x80xi32, #tpu.memory_space<vmem>>
    %dma_start3A_162 = tpu.memref_squeeze %dma_start3A_161 : memref<1x4x80xi32, #tpu.memory_space<vmem>> -> memref<4x80xi32, #tpu.memory_space<vmem>>
    %dma_start3A_163 = arith.constant 0 : i32
    %dma_start3A_164 = tpu.memref_slice %dma_start3A_162[%dma_start3A_150, %dma_start3A_163] : memref<4x80xi32, #tpu.memory_space<vmem>> -> memref<1x80xi32, #tpu.memory_space<vmem>>
    %dma_start3A_165 = tpu.memref_squeeze %dma_start3A_164 : memref<1x80xi32, #tpu.memory_space<vmem>> -> memref<80xi32, #tpu.memory_space<vmem>>
    %dma_start3A_166 = arith.constant 0 : i32
    %dma_start3A_167 = arith.constant 0 : i32
    %dma_start3A_168 = tpu.memref_slice %arg3[%dma_start3A_166, %dma_start3A_167] : memref<1000000x104xf32, #tpu.memory_space<hbm>> -> memref<1000000x104xf32, #tpu.memory_space<hbm>>
    tpu.enqueue_indirect_dma source(%dma_start3A_168 : memref<1000000x104xf32, #tpu.memory_space<hbm>>) target(%dma_start3A_158 : memref<80x104xf32, #tpu.memory_space<vmem>>) offsets(%dma_start3A_165 : memref<80xi32, #tpu.memory_space<vmem>>) semaphore(%arg9 : memref<!tpu.dma_semaphore, #tpu.memory_space<semaphore_mem>>)
    %scan3A = arith.constant 0 : i32
    %scan3A_169 = arith.constant 0 : i32
    %scan3A_170 = arith.constant 32 : i32
    %scan3A_171 = arith.addi %scan3A_169, %scan3A_170 : i32
    %scan3A_172 = arith.constant 1 : i32
    scf.for %scan3A_174 = %scan3A_169 to %scan3A_171 step %scan3A_172  : i32 {
      %mul3A_175 = arith.constant 2 : i32
      %mul3A_176 = arith.muli %scan3A_174, %mul3A_175 : i32
      %add3A_177 = arith.constant 0 : i32
      %add3A_178 = arith.addi %mul3A_176, %add3A_177 : i32
      %dma_wait3A = arith.constant 0 : i32
      %dma_wait3A_179 = arith.constant 0 : i32
      %dma_wait3A_180 = arith.constant 0 : i32
      %dma_wait3A_181 = arith.constant 0 : i32
      %dma_wait3A_182 = arith.constant 0 : i32
      %dma_wait3A_183 = tpu.memref_slice %arg6[%dma_wait3A_180, %dma_wait3A_181, %dma_wait3A_182] : memref<2x320x104xf32, #tpu.memory_space<vmem>> -> memref<1x320x104xf32, #tpu.memory_space<vmem>>
      %dma_wait3A_184 = tpu.memref_squeeze %dma_wait3A_183 : memref<1x320x104xf32, #tpu.memory_space<vmem>> -> memref<320x104xf32, #tpu.memory_space<vmem>>
      %dma_wait3A_185 = arith.constant 0 : i32
      %dma_wait3A_186 = arith.constant 0 : i32
      %dma_wait3A_187 = tpu.memref_slice %dma_wait3A_184[%dma_wait3A_185, %dma_wait3A_186] : memref<320x104xf32, #tpu.memory_space<vmem>> -> memref<80x104xf32, #tpu.memory_space<vmem>>
      %dma_wait3A_188 = arith.constant 0 : i32
      %dma_wait3A_189 = arith.constant 0 : i32
      %dma_wait3A_190 = tpu.memref_slice %arg5[%dma_wait3A, %dma_wait3A_188, %dma_wait3A_189] : memref<2x4x80xi32, #tpu.memory_space<vmem>> -> memref<1x4x80xi32, #tpu.memory_space<vmem>>
      %dma_wait3A_191 = tpu.memref_squeeze %dma_wait3A_190 : memref<1x4x80xi32, #tpu.memory_space<vmem>> -> memref<4x80xi32, #tpu.memory_space<vmem>>
      %dma_wait3A_192 = arith.constant 0 : i32
      %dma_wait3A_193 = tpu.memref_slice %dma_wait3A_191[%dma_wait3A_179, %dma_wait3A_192] : memref<4x80xi32, #tpu.memory_space<vmem>> -> memref<1x80xi32, #tpu.memory_space<vmem>>
      %dma_wait3A_194 = tpu.memref_squeeze %dma_wait3A_193 : memref<1x80xi32, #tpu.memory_space<vmem>> -> memref<80xi32, #tpu.memory_space<vmem>>
      %dma_wait3A_195 = arith.constant 0 : i32
      %dma_wait3A_196 = arith.constant 0 : i32
      %dma_wait3A_197 = tpu.memref_slice %arg3[%dma_wait3A_195, %dma_wait3A_196] : memref<1000000x104xf32, #tpu.memory_space<hbm>> -> memref<1000000x104xf32, #tpu.memory_space<hbm>>
      tpu.wait_indirect_dma semaphore(%arg8 : memref<!tpu.dma_semaphore, #tpu.memory_space<semaphore_mem>>) src(%dma_wait3A_197 : memref<1000000x104xf32, #tpu.memory_space<hbm>>) dst(%dma_wait3A_187 : memref<80x104xf32, #tpu.memory_space<vmem>>)
      %dma_wait3A_198 = arith.constant 0 : i32
      %dma_wait3A_199 = arith.constant 1 : i32
      %dma_wait3A_200 = arith.constant 0 : i32
      %dma_wait3A_201 = arith.constant 0 : i32
      %dma_wait3A_202 = arith.constant 0 : i32
      %dma_wait3A_203 = tpu.memref_slice %arg6[%dma_wait3A_200, %dma_wait3A_201, %dma_wait3A_202] : memref<2x320x104xf32, #tpu.memory_space<vmem>> -> memref<1x320x104xf32, #tpu.memory_space<vmem>>
      %dma_wait3A_204 = tpu.memref_squeeze %dma_wait3A_203 : memref<1x320x104xf32, #tpu.memory_space<vmem>> -> memref<320x104xf32, #tpu.memory_space<vmem>>
      %dma_wait3A_205 = arith.constant 80 : i32
      %dma_wait3A_206 = arith.constant 0 : i32
      %dma_wait3A_207 = tpu.memref_slice %dma_wait3A_204[%dma_wait3A_205, %dma_wait3A_206] : memref<320x104xf32, #tpu.memory_space<vmem>> -> memref<80x104xf32, #tpu.memory_space<vmem>>
      %dma_wait3A_208 = arith.constant 0 : i32
      %dma_wait3A_209 = arith.constant 0 : i32
      %dma_wait3A_210 = tpu.memref_slice %arg5[%dma_wait3A_198, %dma_wait3A_208, %dma_wait3A_209] : memref<2x4x80xi32, #tpu.memory_space<vmem>> -> memref<1x4x80xi32, #tpu.memory_space<vmem>>
      %dma_wait3A_211 = tpu.memref_squeeze %dma_wait3A_210 : memref<1x4x80xi32, #tpu.memory_space<vmem>> -> memref<4x80xi32, #tpu.memory_space<vmem>>
      %dma_wait3A_212 = arith.constant 0 : i32
      %dma_wait3A_213 = tpu.memref_slice %dma_wait3A_211[%dma_wait3A_199, %dma_wait3A_212] : memref<4x80xi32, #tpu.memory_space<vmem>> -> memref<1x80xi32, #tpu.memory_space<vmem>>
      %dma_wait3A_214 = tpu.memref_squeeze %dma_wait3A_213 : memref<1x80xi32, #tpu.memory_space<vmem>> -> memref<80xi32, #tpu.memory_space<vmem>>
      %dma_wait3A_215 = arith.constant 0 : i32
      %dma_wait3A_216 = arith.constant 0 : i32
      %dma_wait3A_217 = tpu.memref_slice %arg3[%dma_wait3A_215, %dma_wait3A_216] : memref<1000000x104xf32, #tpu.memory_space<hbm>> -> memref<1000000x104xf32, #tpu.memory_space<hbm>>
      tpu.wait_indirect_dma semaphore(%arg8 : memref<!tpu.dma_semaphore, #tpu.memory_space<semaphore_mem>>) src(%dma_wait3A_217 : memref<1000000x104xf32, #tpu.memory_space<hbm>>) dst(%dma_wait3A_207 : memref<80x104xf32, #tpu.memory_space<vmem>>)
      %dma_wait3A_218 = arith.constant 0 : i32
      %dma_wait3A_219 = arith.constant 2 : i32
      %dma_wait3A_220 = arith.constant 0 : i32
      %dma_wait3A_221 = arith.constant 0 : i32
      %dma_wait3A_222 = arith.constant 0 : i32
      %dma_wait3A_223 = tpu.memref_slice %arg6[%dma_wait3A_220, %dma_wait3A_221, %dma_wait3A_222] : memref<2x320x104xf32, #tpu.memory_space<vmem>> -> memref<1x320x104xf32, #tpu.memory_space<vmem>>
      %dma_wait3A_224 = tpu.memref_squeeze %dma_wait3A_223 : memref<1x320x104xf32, #tpu.memory_space<vmem>> -> memref<320x104xf32, #tpu.memory_space<vmem>>
      %dma_wait3A_225 = arith.constant 160 : i32
      %dma_wait3A_226 = arith.constant 0 : i32
      %dma_wait3A_227 = tpu.memref_slice %dma_wait3A_224[%dma_wait3A_225, %dma_wait3A_226] : memref<320x104xf32, #tpu.memory_space<vmem>> -> memref<80x104xf32, #tpu.memory_space<vmem>>
      %dma_wait3A_228 = arith.constant 0 : i32
      %dma_wait3A_229 = arith.constant 0 : i32
      %dma_wait3A_230 = tpu.memref_slice %arg5[%dma_wait3A_218, %dma_wait3A_228, %dma_wait3A_229] : memref<2x4x80xi32, #tpu.memory_space<vmem>> -> memref<1x4x80xi32, #tpu.memory_space<vmem>>
      %dma_wait3A_231 = tpu.memref_squeeze %dma_wait3A_230 : memref<1x4x80xi32, #tpu.memory_space<vmem>> -> memref<4x80xi32, #tpu.memory_space<vmem>>
      %dma_wait3A_232 = arith.constant 0 : i32
      %dma_wait3A_233 = tpu.memref_slice %dma_wait3A_231[%dma_wait3A_219, %dma_wait3A_232] : memref<4x80xi32, #tpu.memory_space<vmem>> -> memref<1x80xi32, #tpu.memory_space<vmem>>
      %dma_wait3A_234 = tpu.memref_squeeze %dma_wait3A_233 : memref<1x80xi32, #tpu.memory_space<vmem>> -> memref<80xi32, #tpu.memory_space<vmem>>
      %dma_wait3A_235 = arith.constant 0 : i32
      %dma_wait3A_236 = arith.constant 0 : i32
      %dma_wait3A_237 = tpu.memref_slice %arg3[%dma_wait3A_235, %dma_wait3A_236] : memref<1000000x104xf32, #tpu.memory_space<hbm>> -> memref<1000000x104xf32, #tpu.memory_space<hbm>>
      tpu.wait_indirect_dma semaphore(%arg8 : memref<!tpu.dma_semaphore, #tpu.memory_space<semaphore_mem>>) src(%dma_wait3A_237 : memref<1000000x104xf32, #tpu.memory_space<hbm>>) dst(%dma_wait3A_227 : memref<80x104xf32, #tpu.memory_space<vmem>>)
      %dma_wait3A_238 = arith.constant 0 : i32
      %dma_wait3A_239 = arith.constant 3 : i32
      %dma_wait3A_240 = arith.constant 0 : i32
      %dma_wait3A_241 = arith.constant 0 : i32
      %dma_wait3A_242 = arith.constant 0 : i32
      %dma_wait3A_243 = tpu.memref_slice %arg6[%dma_wait3A_240, %dma_wait3A_241, %dma_wait3A_242] : memref<2x320x104xf32, #tpu.memory_space<vmem>> -> memref<1x320x104xf32, #tpu.memory_space<vmem>>
      %dma_wait3A_244 = tpu.memref_squeeze %dma_wait3A_243 : memref<1x320x104xf32, #tpu.memory_space<vmem>> -> memref<320x104xf32, #tpu.memory_space<vmem>>
      %dma_wait3A_245 = arith.constant 240 : i32
      %dma_wait3A_246 = arith.constant 0 : i32
      %dma_wait3A_247 = tpu.memref_slice %dma_wait3A_244[%dma_wait3A_245, %dma_wait3A_246] : memref<320x104xf32, #tpu.memory_space<vmem>> -> memref<80x104xf32, #tpu.memory_space<vmem>>
      %dma_wait3A_248 = arith.constant 0 : i32
      %dma_wait3A_249 = arith.constant 0 : i32
      %dma_wait3A_250 = tpu.memref_slice %arg5[%dma_wait3A_238, %dma_wait3A_248, %dma_wait3A_249] : memref<2x4x80xi32, #tpu.memory_space<vmem>> -> memref<1x4x80xi32, #tpu.memory_space<vmem>>
      %dma_wait3A_251 = tpu.memref_squeeze %dma_wait3A_250 : memref<1x4x80xi32, #tpu.memory_space<vmem>> -> memref<4x80xi32, #tpu.memory_space<vmem>>
      %dma_wait3A_252 = arith.constant 0 : i32
      %dma_wait3A_253 = tpu.memref_slice %dma_wait3A_251[%dma_wait3A_239, %dma_wait3A_252] : memref<4x80xi32, #tpu.memory_space<vmem>> -> memref<1x80xi32, #tpu.memory_space<vmem>>
      %dma_wait3A_254 = tpu.memref_squeeze %dma_wait3A_253 : memref<1x80xi32, #tpu.memory_space<vmem>> -> memref<80xi32, #tpu.memory_space<vmem>>
      %dma_wait3A_255 = arith.constant 0 : i32
      %dma_wait3A_256 = arith.constant 0 : i32
      %dma_wait3A_257 = tpu.memref_slice %arg3[%dma_wait3A_255, %dma_wait3A_256] : memref<1000000x104xf32, #tpu.memory_space<hbm>> -> memref<1000000x104xf32, #tpu.memory_space<hbm>>
      tpu.wait_indirect_dma semaphore(%arg8 : memref<!tpu.dma_semaphore, #tpu.memory_space<semaphore_mem>>) src(%dma_wait3A_257 : memref<1000000x104xf32, #tpu.memory_space<hbm>>) dst(%dma_wait3A_247 : memref<80x104xf32, #tpu.memory_space<vmem>>)
      %broadcast_in_dim3A = arith.constant 2.500000e-02 : f32
      %broadcast_in_dim3A_258 = vector.broadcast %broadcast_in_dim3A : f32 to vector<16xf32>
      %scan3A_259 = arith.constant 0 : i32
      %scan3A_260 = arith.constant 0 : i32
      %scan3A_261 = arith.constant 0 : i32
      %scan3A_262 = arith.constant 8 : i32
      %scan3A_263 = arith.addi %scan3A_261, %scan3A_262 : i32
      %scan3A_264 = arith.constant 1 : i32
      scf.for %scan3A_378 = %scan3A_261 to %scan3A_263 step %scan3A_264  : i32 {
        %mul3A_379 = arith.constant 40 : i32
        %mul3A_380 = arith.muli %scan3A_378, %mul3A_379 : i32
        %broadcast_in_dim3A_381 = arith.constant 0.000000e+00 : f32
        %broadcast_in_dim3A_382 = vector.broadcast %broadcast_in_dim3A_381 : f32 to vector<16xf32>
        %broadcast_in_dim3A_383 = arith.constant 0.000000e+00 : f32
        %broadcast_in_dim3A_384 = vector.broadcast %broadcast_in_dim3A_383 : f32 to vector<16xf32>
        %broadcast_in_dim3A_385 = arith.constant 0.000000e+00 : f32
        %broadcast_in_dim3A_386 = vector.broadcast %broadcast_in_dim3A_385 : f32 to vector<16xf32>
        %broadcast_in_dim3A_387 = arith.constant 0.000000e+00 : f32
        %broadcast_in_dim3A_388 = vector.broadcast %broadcast_in_dim3A_387 : f32 to vector<16xf32>
        %broadcast_in_dim3A_389 = arith.constant 0.000000e+00 : f32
        %broadcast_in_dim3A_390 = vector.broadcast %broadcast_in_dim3A_389 : f32 to vector<16xf32>
        %broadcast_in_dim3A_391 = arith.constant 0.000000e+00 : f32
        %broadcast_in_dim3A_392 = vector.broadcast %broadcast_in_dim3A_391 : f32 to vector<16xf32>
        %broadcast_in_dim3A_393 = arith.constant 0.000000e+00 : f32
        %broadcast_in_dim3A_394 = vector.broadcast %broadcast_in_dim3A_393 : f32 to vector<16xf32>
        %scan3A_395 = arith.constant 0 : i32
        %scan3A_396 = arith.constant 40 : i32
        %scan3A_397 = arith.addi %scan3A_395, %scan3A_396 : i32
        %scan3A_398 = arith.constant 1 : i32
        %scan3A_399:7 = scf.for %scan3A_463 = %scan3A_395 to %scan3A_397 step %scan3A_398 iter_args(%scan3A_464 = %broadcast_in_dim3A_382, %scan3A_465 = %broadcast_in_dim3A_384, %scan3A_466 = %broadcast_in_dim3A_386, %scan3A_467 = %broadcast_in_dim3A_388, %scan3A_468 = %broadcast_in_dim3A_390, %scan3A_469 = %broadcast_in_dim3A_392, %scan3A_470 = %broadcast_in_dim3A_394) -> (vector<16xf32>, vector<16xf32>, vector<16xf32>, vector<16xf32>, vector<16xf32>, vector<16xf32>, vector<16xf32>)  : i32 {
          %add3A_471 = arith.addi %mul3A_380, %scan3A_463 : i32
          %get3A = arith.constant 0 : i32
          %get3A_472 = arith.constant 0 : i32
          %get3A_473 = tpu.memref_slice %arg6[%scan3A_260, %get3A, %get3A_472] : memref<2x320x104xf32, #tpu.memory_space<vmem>> -> memref<1x320x104xf32, #tpu.memory_space<vmem>>
          %get3A_474 = tpu.memref_squeeze %get3A_473 : memref<1x320x104xf32, #tpu.memory_space<vmem>> -> memref<320x104xf32, #tpu.memory_space<vmem>>
          %get3A_475 = arith.index_cast %add3A_471 : i32 to index
          %get3A_476 = arith.constant 0 : index
          %get3A_477 = tpu.vector_load %get3A_474[%get3A_475, %get3A_476] {strides = array<i32>} : memref<320x104xf32, #tpu.memory_space<vmem>>, vector<1x16xf32>,
          %get3A_478 = vector.shape_cast %get3A_477 : vector<1x16xf32> to vector<16xf32>
          %add3A_479 = arith.addf %scan3A_464, %get3A_478 : vector<16xf32>
          %get3A_480 = arith.constant 0 : i32
          %get3A_481 = arith.constant 0 : i32
          %get3A_482 = tpu.memref_slice %arg6[%scan3A_260, %get3A_480, %get3A_481] : memref<2x320x104xf32, #tpu.memory_space<vmem>> -> memref<1x320x104xf32, #tpu.memory_space<vmem>>
          %get3A_483 = tpu.memref_squeeze %get3A_482 : memref<1x320x104xf32, #tpu.memory_space<vmem>> -> memref<320x104xf32, #tpu.memory_space<vmem>>
          %get3A_484 = arith.index_cast %add3A_471 : i32 to index
          %get3A_485 = arith.constant 16 : index
          %get3A_486 = tpu.vector_load %get3A_483[%get3A_484, %get3A_485] {strides = array<i32>} : memref<320x104xf32, #tpu.memory_space<vmem>>, vector<1x16xf32>,
          %get3A_487 = vector.shape_cast %get3A_486 : vector<1x16xf32> to vector<16xf32>
          %add3A_488 = arith.addf %scan3A_465, %get3A_487 : vector<16xf32>
          %get3A_489 = arith.constant 0 : i32
          %get3A_490 = arith.constant 0 : i32
          %get3A_491 = tpu.memref_slice %arg6[%scan3A_260, %get3A_489, %get3A_490] : memref<2x320x104xf32, #tpu.memory_space<vmem>> -> memref<1x320x104xf32, #tpu.memory_space<vmem>>
          %get3A_492 = tpu.memref_squeeze %get3A_491 : memref<1x320x104xf32, #tpu.memory_space<vmem>> -> memref<320x104xf32, #tpu.memory_space<vmem>>
          %get3A_493 = arith.index_cast %add3A_471 : i32 to index
          %get3A_494 = arith.constant 32 : index
          %get3A_495 = tpu.vector_load %get3A_492[%get3A_493, %get3A_494] {strides = array<i32>} : memref<320x104xf32, #tpu.memory_space<vmem>>, vector<1x16xf32>,
          %get3A_496 = vector.shape_cast %get3A_495 : vector<1x16xf32> to vector<16xf32>
          %add3A_497 = arith.addf %scan3A_466, %get3A_496 : vector<16xf32>
          %get3A_498 = arith.constant 0 : i32
          %get3A_499 = arith.constant 0 : i32
          %get3A_500 = tpu.memref_slice %arg6[%scan3A_260, %get3A_498, %get3A_499] : memref<2x320x104xf32, #tpu.memory_space<vmem>> -> memref<1x320x104xf32, #tpu.memory_space<vmem>>
          %get3A_501 = tpu.memref_squeeze %get3A_500 : memref<1x320x104xf32, #tpu.memory_space<vmem>> -> memref<320x104xf32, #tpu.memory_space<vmem>>
          %get3A_502 = arith.index_cast %add3A_471 : i32 to index
          %get3A_503 = arith.constant 48 : index
          %get3A_504 = tpu.vector_load %get3A_501[%get3A_502, %get3A_503] {strides = array<i32>} : memref<320x104xf32, #tpu.memory_space<vmem>>, vector<1x16xf32>,
          %get3A_505 = vector.shape_cast %get3A_504 : vector<1x16xf32> to vector<16xf32>
          %add3A_506 = arith.addf %scan3A_467, %get3A_505 : vector<16xf32>
          %get3A_507 = arith.constant 0 : i32
          %get3A_508 = arith.constant 0 : i32
          %get3A_509 = tpu.memref_slice %arg6[%scan3A_260, %get3A_507, %get3A_508] : memref<2x320x104xf32, #tpu.memory_space<vmem>> -> memref<1x320x104xf32, #tpu.memory_space<vmem>>
          %get3A_510 = tpu.memref_squeeze %get3A_509 : memref<1x320x104xf32, #tpu.memory_space<vmem>> -> memref<320x104xf32, #tpu.memory_space<vmem>>
          %get3A_511 = arith.index_cast %add3A_471 : i32 to index
          %get3A_512 = arith.constant 64 : index
          %get3A_513 = tpu.vector_load %get3A_510[%get3A_511, %get3A_512] {strides = array<i32>} : memref<320x104xf32, #tpu.memory_space<vmem>>, vector<1x16xf32>,
          %get3A_514 = vector.shape_cast %get3A_513 : vector<1x16xf32> to vector<16xf32>
          %add3A_515 = arith.addf %scan3A_468, %get3A_514 : vector<16xf32>
          %get3A_516 = arith.constant 0 : i32
          %get3A_517 = arith.constant 0 : i32
          %get3A_518 = tpu.memref_slice %arg6[%scan3A_260, %get3A_516, %get3A_517] : memref<2x320x104xf32, #tpu.memory_space<vmem>> -> memref<1x320x104xf32, #tpu.memory_space<vmem>>
          %get3A_519 = tpu.memref_squeeze %get3A_518 : memref<1x320x104xf32, #tpu.memory_space<vmem>> -> memref<320x104xf32, #tpu.memory_space<vmem>>
          %get3A_520 = arith.index_cast %add3A_471 : i32 to index
          %get3A_521 = arith.constant 80 : index
          %get3A_522 = tpu.vector_load %get3A_519[%get3A_520, %get3A_521] {strides = array<i32>} : memref<320x104xf32, #tpu.memory_space<vmem>>, vector<1x16xf32>,
          %get3A_523 = vector.shape_cast %get3A_522 : vector<1x16xf32> to vector<16xf32>
          %add3A_524 = arith.addf %scan3A_469, %get3A_523 : vector<16xf32>
          %get3A_525 = arith.constant 0 : i32
          %get3A_526 = arith.constant 0 : i32
          %get3A_527 = tpu.memref_slice %arg6[%scan3A_260, %get3A_525, %get3A_526] : memref<2x320x104xf32, #tpu.memory_space<vmem>> -> memref<1x320x104xf32, #tpu.memory_space<vmem>>
          %get3A_528 = tpu.memref_squeeze %get3A_527 : memref<1x320x104xf32, #tpu.memory_space<vmem>> -> memref<320x104xf32, #tpu.memory_space<vmem>>
          %get3A_529 = arith.index_cast %add3A_471 : i32 to index
          %get3A_530 = arith.constant 84 : index
          %get3A_531 = tpu.vector_load %get3A_528[%get3A_529, %get3A_530] {strides = array<i32>} : memref<320x104xf32, #tpu.memory_space<vmem>>, vector<1x16xf32>,
          %get3A_532 = vector.shape_cast %get3A_531 : vector<1x16xf32> to vector<16xf32>
          %add3A_533 = arith.addf %scan3A_470, %get3A_532 : vector<16xf32>
          scf.yield %add3A_479, %add3A_488, %add3A_497, %add3A_506, %add3A_515, %add3A_524, %add3A_533 : vector<16xf32>, vector<16xf32>, vector<16xf32>, vector<16xf32>, vector<16xf32>, vector<16xf32>, vector<16xf32>
        }
        %scan3A_400 = arith.constant 40 : i32
        %mul3A_401 = arith.mulf %scan3A_399#0, %broadcast_in_dim3A_258 : vector<16xf32>
        %mul3A_402 = arith.constant 100 : i32
        %mul3A_403 = arith.muli %scan3A_378, %mul3A_402 : i32
        %add3A_404 = arith.constant 0 : i32
        %add3A_405 = arith.addi %mul3A_403, %add3A_404 : i32
        %swap3A = arith.index_cast %add3A_405 : i32 to index
        %swap3A_406 = tpu.vector_load %arg7[%swap3A] {strides = array<i32>} : memref<800xf32, #tpu.memory_space<vmem>>, vector<16xf32>,
        %swap3A_407 = vector.shape_cast %swap3A_406 : vector<16xf32> to vector<16xf32>
        %swap3A_408 = vector.shape_cast %mul3A_401 : vector<16xf32> to vector<16xf32>
        tpu.vector_store %arg7[%swap3A], %swap3A_408 {strides = array<i32>} : memref<800xf32, #tpu.memory_space<vmem>>, vector<16xf32>,
        %mul3A_409 = arith.mulf %scan3A_399#1, %broadcast_in_dim3A_258 : vector<16xf32>
        %mul3A_410 = arith.constant 100 : i32
        %mul3A_411 = arith.muli %scan3A_378, %mul3A_410 : i32
        %add3A_412 = arith.constant 16 : i32
        %add3A_413 = arith.addi %mul3A_411, %add3A_412 : i32
        %swap3A_414 = arith.index_cast %add3A_413 : i32 to index
        %swap3A_415 = tpu.vector_load %arg7[%swap3A_414] {strides = array<i32>} : memref<800xf32, #tpu.memory_space<vmem>>, vector<16xf32>,
        %swap3A_416 = vector.shape_cast %swap3A_415 : vector<16xf32> to vector<16xf32>
        %swap3A_417 = vector.shape_cast %mul3A_409 : vector<16xf32> to vector<16xf32>
        tpu.vector_store %arg7[%swap3A_414], %swap3A_417 {strides = array<i32>} : memref<800xf32, #tpu.memory_space<vmem>>, vector<16xf32>,
        %mul3A_418 = arith.mulf %scan3A_399#2, %broadcast_in_dim3A_258 : vector<16xf32>
        %mul3A_419 = arith.constant 100 : i32
        %mul3A_420 = arith.muli %scan3A_378, %mul3A_419 : i32
        %add3A_421 = arith.constant 32 : i32
        %add3A_422 = arith.addi %mul3A_420, %add3A_421 : i32
        %swap3A_423 = arith.index_cast %add3A_422 : i32 to index
        %swap3A_424 = tpu.vector_load %arg7[%swap3A_423] {strides = array<i32>} : memref<800xf32, #tpu.memory_space<vmem>>, vector<16xf32>,
        %swap3A_425 = vector.shape_cast %swap3A_424 : vector<16xf32> to vector<16xf32>
        %swap3A_426 = vector.shape_cast %mul3A_418 : vector<16xf32> to vector<16xf32>
        tpu.vector_store %arg7[%swap3A_423], %swap3A_426 {strides = array<i32>} : memref<800xf32, #tpu.memory_space<vmem>>, vector<16xf32>,
        %mul3A_427 = arith.mulf %scan3A_399#3, %broadcast_in_dim3A_258 : vector<16xf32>
        %mul3A_428 = arith.constant 100 : i32
        %mul3A_429 = arith.muli %scan3A_378, %mul3A_428 : i32
        %add3A_430 = arith.constant 48 : i32
        %add3A_431 = arith.addi %mul3A_429, %add3A_430 : i32
        %swap3A_432 = arith.index_cast %add3A_431 : i32 to index
        %swap3A_433 = tpu.vector_load %arg7[%swap3A_432] {strides = array<i32>} : memref<800xf32, #tpu.memory_space<vmem>>, vector<16xf32>,
        %swap3A_434 = vector.shape_cast %swap3A_433 : vector<16xf32> to vector<16xf32>
        %swap3A_435 = vector.shape_cast %mul3A_427 : vector<16xf32> to vector<16xf32>
        tpu.vector_store %arg7[%swap3A_432], %swap3A_435 {strides = array<i32>} : memref<800xf32, #tpu.memory_space<vmem>>, vector<16xf32>,
        %mul3A_436 = arith.mulf %scan3A_399#4, %broadcast_in_dim3A_258 : vector<16xf32>
        %mul3A_437 = arith.constant 100 : i32
        %mul3A_438 = arith.muli %scan3A_378, %mul3A_437 : i32
        %add3A_439 = arith.constant 64 : i32
        %add3A_440 = arith.addi %mul3A_438, %add3A_439 : i32
        %swap3A_441 = arith.index_cast %add3A_440 : i32 to index
        %swap3A_442 = tpu.vector_load %arg7[%swap3A_441] {strides = array<i32>} : memref<800xf32, #tpu.memory_space<vmem>>, vector<16xf32>,
        %swap3A_443 = vector.shape_cast %swap3A_442 : vector<16xf32> to vector<16xf32>
        %swap3A_444 = vector.shape_cast %mul3A_436 : vector<16xf32> to vector<16xf32>
        tpu.vector_store %arg7[%swap3A_441], %swap3A_444 {strides = array<i32>} : memref<800xf32, #tpu.memory_space<vmem>>, vector<16xf32>,
        %mul3A_445 = arith.mulf %scan3A_399#5, %broadcast_in_dim3A_258 : vector<16xf32>
        %mul3A_446 = arith.constant 100 : i32
        %mul3A_447 = arith.muli %scan3A_378, %mul3A_446 : i32
        %add3A_448 = arith.constant 80 : i32
        %add3A_449 = arith.addi %mul3A_447, %add3A_448 : i32
        %swap3A_450 = arith.index_cast %add3A_449 : i32 to index
        %swap3A_451 = tpu.vector_load %arg7[%swap3A_450] {strides = array<i32>} : memref<800xf32, #tpu.memory_space<vmem>>, vector<16xf32>,
        %swap3A_452 = vector.shape_cast %swap3A_451 : vector<16xf32> to vector<16xf32>
        %swap3A_453 = vector.shape_cast %mul3A_445 : vector<16xf32> to vector<16xf32>
        tpu.vector_store %arg7[%swap3A_450], %swap3A_453 {strides = array<i32>} : memref<800xf32, #tpu.memory_space<vmem>>, vector<16xf32>,
        %mul3A_454 = arith.mulf %scan3A_399#6, %broadcast_in_dim3A_258 : vector<16xf32>
        %mul3A_455 = arith.constant 100 : i32
        %mul3A_456 = arith.muli %scan3A_378, %mul3A_455 : i32
        %add3A_457 = arith.constant 84 : i32
        %add3A_458 = arith.addi %mul3A_456, %add3A_457 : i32
        %swap3A_459 = arith.index_cast %add3A_458 : i32 to index
        %swap3A_460 = tpu.vector_load %arg7[%swap3A_459] {strides = array<i32>} : memref<800xf32, #tpu.memory_space<vmem>>, vector<16xf32>,
        %swap3A_461 = vector.shape_cast %swap3A_460 : vector<16xf32> to vector<16xf32>
        %swap3A_462 = vector.shape_cast %mul3A_454 : vector<16xf32> to vector<16xf32>
        tpu.vector_store %arg7[%swap3A_459], %swap3A_462 {strides = array<i32>} : memref<800xf32, #tpu.memory_space<vmem>>, vector<16xf32>,
      }
      %scan3A_265 = arith.constant 8 : i32
      %mul3A_266 = arith.constant 8 : i32
      %mul3A_267 = arith.muli %add3A_178, %mul3A_266 : i32
      %add3A_268 = arith.addi %mul3A_4, %mul3A_267 : i32
      %mul3A_269 = arith.constant 100 : i32
      %mul3A_270 = arith.muli %add3A_268, %mul3A_269 : i32
      "tpu.region"() ({
        %run_scoped3A_378 = tpu.sem_alloc : memref<!tpu.dma_semaphore, #tpu.memory_space<semaphore_mem>>
        %dma_start3A_379 = tpu.memref_slice %arg4[%mul3A_270] : memref<1638400xf32, #tpu.memory_space<hbm>> -> memref<800xf32, #tpu.memory_space<hbm>>
        %dma_start3A_380 = tpu.memref_slice %arg4[%mul3A_270] : memref<1638400xf32, #tpu.memory_space<hbm>> -> memref<800xf32, #tpu.memory_space<hbm>>
        tpu.enqueue_dma source(%arg7 : memref<800xf32, #tpu.memory_space<vmem>>) target(%dma_start3A_380 : memref<800xf32, #tpu.memory_space<hbm>>) target_semaphore(%run_scoped3A_378 : memref<!tpu.dma_semaphore, #tpu.memory_space<semaphore_mem>>)
        %dma_wait3A_381 = tpu.memref_slice %arg4[%mul3A_270] : memref<1638400xf32, #tpu.memory_space<hbm>> -> memref<800xf32, #tpu.memory_space<hbm>>
        %dma_wait3A_382 = tpu.memref_slice %arg4[%mul3A_270] : memref<1638400xf32, #tpu.memory_space<hbm>> -> memref<800xf32, #tpu.memory_space<hbm>>
        tpu.wait_dma2 semaphore(%run_scoped3A_378 : memref<!tpu.dma_semaphore, #tpu.memory_space<semaphore_mem>>) src(%arg7 : memref<800xf32, #tpu.memory_space<vmem>>) dst(%dma_wait3A_382 : memref<800xf32, #tpu.memory_space<hbm>>)
        tpu.yield
      }) : () -> ()
      %add3A_271 = arith.constant 2 : i32
      %add3A_272 = arith.addi %add3A_178, %add3A_271 : i32
      %lt3A = arith.constant 64 : i32
      %lt3A_273 = arith.cmpi slt, %add3A_272, %lt3A : i32
      %convert_element_type3A = arith.extui %lt3A_273 : i1 to i32
      %cond3A = arith.constant 0 : i32
      %cond3A_274 = arith.cmpi ne, %convert_element_type3A, %cond3A : i32
      scf.if %cond3A_274 {
        %add3A_378 = arith.constant 2 : i32
        %add3A_379 = arith.addi %add3A_178, %add3A_378 : i32
        %mul3A_380 = arith.constant 4 : i32
        %mul3A_381 = arith.muli %add3A_379, %mul3A_380 : i32
        %add3A_382 = arith.addi %mul3A_2, %mul3A_381 : i32
        %run_scoped3A_383 = arith.constant 0 : i32
        "tpu.region"() ({
          %run_scoped3A_464 = tpu.sem_alloc : memref<!tpu.dma_semaphore, #tpu.memory_space<semaphore_mem>>
          %dma_start3A_465 = arith.constant 0 : i32
          %dma_start3A_466 = arith.constant 0 : i32
          %dma_start3A_467 = tpu.memref_slice %arg5[%run_scoped3A_383, %dma_start3A_465, %dma_start3A_466] : memref<2x4x80xi32, #tpu.memory_space<vmem>> -> memref<1x4x80xi32, #tpu.memory_space<vmem>>
          %dma_start3A_468 = tpu.memref_squeeze %dma_start3A_467 : memref<1x4x80xi32, #tpu.memory_space<vmem>> -> memref<4x80xi32, #tpu.memory_space<vmem>>
          %dma_start3A_469 = arith.constant 0 : i32
          %dma_start3A_470 = tpu.memref_slice %arg2[%add3A_382, %dma_start3A_469] : memref<8192x80xi32, #tpu.memory_space<hbm>> -> memref<4x80xi32, #tpu.memory_space<hbm>>
          %dma_start3A_471 = arith.constant 0 : i32
          %dma_start3A_472 = arith.constant 0 : i32
          %dma_start3A_473 = tpu.memref_slice %arg5[%run_scoped3A_383, %dma_start3A_471, %dma_start3A_472] : memref<2x4x80xi32, #tpu.memory_space<vmem>> -> memref<1x4x80xi32, #tpu.memory_space<vmem>>
          %dma_start3A_474 = tpu.memref_squeeze %dma_start3A_473 : memref<1x4x80xi32, #tpu.memory_space<vmem>> -> memref<4x80xi32, #tpu.memory_space<vmem>>
          %dma_start3A_475 = arith.constant 0 : i32
          %dma_start3A_476 = tpu.memref_slice %arg2[%add3A_382, %dma_start3A_475] : memref<8192x80xi32, #tpu.memory_space<hbm>> -> memref<4x80xi32, #tpu.memory_space<hbm>>
          tpu.enqueue_dma source(%dma_start3A_476 : memref<4x80xi32, #tpu.memory_space<hbm>>) target(%dma_start3A_474 : memref<4x80xi32, #tpu.memory_space<vmem>>) target_semaphore(%run_scoped3A_464 : memref<!tpu.dma_semaphore, #tpu.memory_space<semaphore_mem>>)
          %dma_wait3A_477 = arith.constant 0 : i32
          %dma_wait3A_478 = arith.constant 0 : i32
          %dma_wait3A_479 = tpu.memref_slice %arg5[%run_scoped3A_383, %dma_wait3A_477, %dma_wait3A_478] : memref<2x4x80xi32, #tpu.memory_space<vmem>> -> memref<1x4x80xi32, #tpu.memory_space<vmem>>
          %dma_wait3A_480 = tpu.memref_squeeze %dma_wait3A_479 : memref<1x4x80xi32, #tpu.memory_space<vmem>> -> memref<4x80xi32, #tpu.memory_space<vmem>>
          %dma_wait3A_481 = arith.constant 0 : i32
          %dma_wait3A_482 = tpu.memref_slice %arg2[%add3A_382, %dma_wait3A_481] : memref<8192x80xi32, #tpu.memory_space<hbm>> -> memref<4x80xi32, #tpu.memory_space<hbm>>
          %dma_wait3A_483 = arith.constant 0 : i32
          %dma_wait3A_484 = arith.constant 0 : i32
          %dma_wait3A_485 = tpu.memref_slice %arg5[%run_scoped3A_383, %dma_wait3A_483, %dma_wait3A_484] : memref<2x4x80xi32, #tpu.memory_space<vmem>> -> memref<1x4x80xi32, #tpu.memory_space<vmem>>
          %dma_wait3A_486 = tpu.memref_squeeze %dma_wait3A_485 : memref<1x4x80xi32, #tpu.memory_space<vmem>> -> memref<4x80xi32, #tpu.memory_space<vmem>>
          %dma_wait3A_487 = arith.constant 0 : i32
          %dma_wait3A_488 = tpu.memref_slice %arg2[%add3A_382, %dma_wait3A_487] : memref<8192x80xi32, #tpu.memory_space<hbm>> -> memref<4x80xi32, #tpu.memory_space<hbm>>
          tpu.wait_dma2 semaphore(%run_scoped3A_464 : memref<!tpu.dma_semaphore, #tpu.memory_space<semaphore_mem>>) src(%dma_wait3A_488 : memref<4x80xi32, #tpu.memory_space<hbm>>) dst(%dma_wait3A_486 : memref<4x80xi32, #tpu.memory_space<vmem>>)
          tpu.yield
        }) : () -> ()
        %dma_start3A_384 = arith.constant 0 : i32
        %dma_start3A_385 = arith.constant 0 : i32
        %dma_start3A_386 = arith.constant 0 : i32
        %dma_start3A_387 = arith.constant 0 : i32
        %dma_start3A_388 = arith.constant 0 : i32
        %dma_start3A_389 = tpu.memref_slice %arg6[%dma_start3A_386, %dma_start3A_387, %dma_start3A_388] : memref<2x320x104xf32, #tpu.memory_space<vmem>> -> memref<1x320x104xf32, #tpu.memory_space<vmem>>
        %dma_start3A_390 = tpu.memref_squeeze %dma_start3A_389 : memref<1x320x104xf32, #tpu.memory_space<vmem>> -> memref<320x104xf32, #tpu.memory_space<vmem>>
        %dma_start3A_391 = arith.constant 0 : i32
        %dma_start3A_392 = arith.constant 0 : i32
        %dma_start3A_393 = tpu.memref_slice %dma_start3A_390[%dma_start3A_391, %dma_start3A_392] : memref<320x104xf32, #tpu.memory_space<vmem>> -> memref<80x104xf32, #tpu.memory_space<vmem>>
        %dma_start3A_394 = arith.constant 0 : i32
        %dma_start3A_395 = arith.constant 0 : i32
        %dma_start3A_396 = tpu.memref_slice %arg5[%dma_start3A_384, %dma_start3A_394, %dma_start3A_395] : memref<2x4x80xi32, #tpu.memory_space<vmem>> -> memref<1x4x80xi32, #tpu.memory_space<vmem>>
        %dma_start3A_397 = tpu.memref_squeeze %dma_start3A_396 : memref<1x4x80xi32, #tpu.memory_space<vmem>> -> memref<4x80xi32, #tpu.memory_space<vmem>>
        %dma_start3A_398 = arith.constant 0 : i32
        %dma_start3A_399 = tpu.memref_slice %dma_start3A_397[%dma_start3A_385, %dma_start3A_398] : memref<4x80xi32, #tpu.memory_space<vmem>> -> memref<1x80xi32, #tpu.memory_space<vmem>>
        %dma_start3A_400 = tpu.memref_squeeze %dma_start3A_399 : memref<1x80xi32, #tpu.memory_space<vmem>> -> memref<80xi32, #tpu.memory_space<vmem>>
        %dma_start3A_401 = arith.constant 0 : i32
        %dma_start3A_402 = arith.constant 0 : i32
        %dma_start3A_403 = tpu.memref_slice %arg3[%dma_start3A_401, %dma_start3A_402] : memref<1000000x104xf32, #tpu.memory_space<hbm>> -> memref<1000000x104xf32, #tpu.memory_space<hbm>>
        tpu.enqueue_indirect_dma source(%dma_start3A_403 : memref<1000000x104xf32, #tpu.memory_space<hbm>>) target(%dma_start3A_393 : memref<80x104xf32, #tpu.memory_space<vmem>>) offsets(%dma_start3A_400 : memref<80xi32, #tpu.memory_space<vmem>>) semaphore(%arg8 : memref<!tpu.dma_semaphore, #tpu.memory_space<semaphore_mem>>)
        %dma_start3A_404 = arith.constant 0 : i32
        %dma_start3A_405 = arith.constant 1 : i32
        %dma_start3A_406 = arith.constant 0 : i32
        %dma_start3A_407 = arith.constant 0 : i32
        %dma_start3A_408 = arith.constant 0 : i32
        %dma_start3A_409 = tpu.memref_slice %arg6[%dma_start3A_406, %dma_start3A_407, %dma_start3A_408] : memref<2x320x104xf32, #tpu.memory_space<vmem>> -> memref<1x320x104xf32, #tpu.memory_space<vmem>>
        %dma_start3A_410 = tpu.memref_squeeze %dma_start3A_409 : memref<1x320x104xf32, #tpu.memory_space<vmem>> -> memref<320x104xf32, #tpu.memory_space<vmem>>
        %dma_start3A_411 = arith.constant 80 : i32
        %dma_start3A_412 = arith.constant 0 : i32
        %dma_start3A_413 = tpu.memref_slice %dma_start3A_410[%dma_start3A_411, %dma_start3A_412] : memref<320x104xf32, #tpu.memory_space<vmem>> -> memref<80x104xf32, #tpu.memory_space<vmem>>
        %dma_start3A_414 = arith.constant 0 : i32
        %dma_start3A_415 = arith.constant 0 : i32
        %dma_start3A_416 = tpu.memref_slice %arg5[%dma_start3A_404, %dma_start3A_414, %dma_start3A_415] : memref<2x4x80xi32, #tpu.memory_space<vmem>> -> memref<1x4x80xi32, #tpu.memory_space<vmem>>
        %dma_start3A_417 = tpu.memref_squeeze %dma_start3A_416 : memref<1x4x80xi32, #tpu.memory_space<vmem>> -> memref<4x80xi32, #tpu.memory_space<vmem>>
        %dma_start3A_418 = arith.constant 0 : i32
        %dma_start3A_419 = tpu.memref_slice %dma_start3A_417[%dma_start3A_405, %dma_start3A_418] : memref<4x80xi32, #tpu.memory_space<vmem>> -> memref<1x80xi32, #tpu.memory_space<vmem>>
        %dma_start3A_420 = tpu.memref_squeeze %dma_start3A_419 : memref<1x80xi32, #tpu.memory_space<vmem>> -> memref<80xi32, #tpu.memory_space<vmem>>
        %dma_start3A_421 = arith.constant 0 : i32
        %dma_start3A_422 = arith.constant 0 : i32
        %dma_start3A_423 = tpu.memref_slice %arg3[%dma_start3A_421, %dma_start3A_422] : memref<1000000x104xf32, #tpu.memory_space<hbm>> -> memref<1000000x104xf32, #tpu.memory_space<hbm>>
        tpu.enqueue_indirect_dma source(%dma_start3A_423 : memref<1000000x104xf32, #tpu.memory_space<hbm>>) target(%dma_start3A_413 : memref<80x104xf32, #tpu.memory_space<vmem>>) offsets(%dma_start3A_420 : memref<80xi32, #tpu.memory_space<vmem>>) semaphore(%arg8 : memref<!tpu.dma_semaphore, #tpu.memory_space<semaphore_mem>>)
        %dma_start3A_424 = arith.constant 0 : i32
        %dma_start3A_425 = arith.constant 2 : i32
        %dma_start3A_426 = arith.constant 0 : i32
        %dma_start3A_427 = arith.constant 0 : i32
        %dma_start3A_428 = arith.constant 0 : i32
        %dma_start3A_429 = tpu.memref_slice %arg6[%dma_start3A_426, %dma_start3A_427, %dma_start3A_428] : memref<2x320x104xf32, #tpu.memory_space<vmem>> -> memref<1x320x104xf32, #tpu.memory_space<vmem>>
        %dma_start3A_430 = tpu.memref_squeeze %dma_start3A_429 : memref<1x320x104xf32, #tpu.memory_space<vmem>> -> memref<320x104xf32, #tpu.memory_space<vmem>>
        %dma_start3A_431 = arith.constant 160 : i32
        %dma_start3A_432 = arith.constant 0 : i32
        %dma_start3A_433 = tpu.memref_slice %dma_start3A_430[%dma_start3A_431, %dma_start3A_432] : memref<320x104xf32, #tpu.memory_space<vmem>> -> memref<80x104xf32, #tpu.memory_space<vmem>>
        %dma_start3A_434 = arith.constant 0 : i32
        %dma_start3A_435 = arith.constant 0 : i32
        %dma_start3A_436 = tpu.memref_slice %arg5[%dma_start3A_424, %dma_start3A_434, %dma_start3A_435] : memref<2x4x80xi32, #tpu.memory_space<vmem>> -> memref<1x4x80xi32, #tpu.memory_space<vmem>>
        %dma_start3A_437 = tpu.memref_squeeze %dma_start3A_436 : memref<1x4x80xi32, #tpu.memory_space<vmem>> -> memref<4x80xi32, #tpu.memory_space<vmem>>
        %dma_start3A_438 = arith.constant 0 : i32
        %dma_start3A_439 = tpu.memref_slice %dma_start3A_437[%dma_start3A_425, %dma_start3A_438] : memref<4x80xi32, #tpu.memory_space<vmem>> -> memref<1x80xi32, #tpu.memory_space<vmem>>
        %dma_start3A_440 = tpu.memref_squeeze %dma_start3A_439 : memref<1x80xi32, #tpu.memory_space<vmem>> -> memref<80xi32, #tpu.memory_space<vmem>>
        %dma_start3A_441 = arith.constant 0 : i32
        %dma_start3A_442 = arith.constant 0 : i32
        %dma_start3A_443 = tpu.memref_slice %arg3[%dma_start3A_441, %dma_start3A_442] : memref<1000000x104xf32, #tpu.memory_space<hbm>> -> memref<1000000x104xf32, #tpu.memory_space<hbm>>
        tpu.enqueue_indirect_dma source(%dma_start3A_443 : memref<1000000x104xf32, #tpu.memory_space<hbm>>) target(%dma_start3A_433 : memref<80x104xf32, #tpu.memory_space<vmem>>) offsets(%dma_start3A_440 : memref<80xi32, #tpu.memory_space<vmem>>) semaphore(%arg8 : memref<!tpu.dma_semaphore, #tpu.memory_space<semaphore_mem>>)
        %dma_start3A_444 = arith.constant 0 : i32
        %dma_start3A_445 = arith.constant 3 : i32
        %dma_start3A_446 = arith.constant 0 : i32
        %dma_start3A_447 = arith.constant 0 : i32
        %dma_start3A_448 = arith.constant 0 : i32
        %dma_start3A_449 = tpu.memref_slice %arg6[%dma_start3A_446, %dma_start3A_447, %dma_start3A_448] : memref<2x320x104xf32, #tpu.memory_space<vmem>> -> memref<1x320x104xf32, #tpu.memory_space<vmem>>
        %dma_start3A_450 = tpu.memref_squeeze %dma_start3A_449 : memref<1x320x104xf32, #tpu.memory_space<vmem>> -> memref<320x104xf32, #tpu.memory_space<vmem>>
        %dma_start3A_451 = arith.constant 240 : i32
        %dma_start3A_452 = arith.constant 0 : i32
        %dma_start3A_453 = tpu.memref_slice %dma_start3A_450[%dma_start3A_451, %dma_start3A_452] : memref<320x104xf32, #tpu.memory_space<vmem>> -> memref<80x104xf32, #tpu.memory_space<vmem>>
        %dma_start3A_454 = arith.constant 0 : i32
        %dma_start3A_455 = arith.constant 0 : i32
        %dma_start3A_456 = tpu.memref_slice %arg5[%dma_start3A_444, %dma_start3A_454, %dma_start3A_455] : memref<2x4x80xi32, #tpu.memory_space<vmem>> -> memref<1x4x80xi32, #tpu.memory_space<vmem>>
        %dma_start3A_457 = tpu.memref_squeeze %dma_start3A_456 : memref<1x4x80xi32, #tpu.memory_space<vmem>> -> memref<4x80xi32, #tpu.memory_space<vmem>>
        %dma_start3A_458 = arith.constant 0 : i32
        %dma_start3A_459 = tpu.memref_slice %dma_start3A_457[%dma_start3A_445, %dma_start3A_458] : memref<4x80xi32, #tpu.memory_space<vmem>> -> memref<1x80xi32, #tpu.memory_space<vmem>>
        %dma_start3A_460 = tpu.memref_squeeze %dma_start3A_459 : memref<1x80xi32, #tpu.memory_space<vmem>> -> memref<80xi32, #tpu.memory_space<vmem>>
        %dma_start3A_461 = arith.constant 0 : i32
        %dma_start3A_462 = arith.constant 0 : i32
        %dma_start3A_463 = tpu.memref_slice %arg3[%dma_start3A_461, %dma_start3A_462] : memref<1000000x104xf32, #tpu.memory_space<hbm>> -> memref<1000000x104xf32, #tpu.memory_space<hbm>>
        tpu.enqueue_indirect_dma source(%dma_start3A_463 : memref<1000000x104xf32, #tpu.memory_space<hbm>>) target(%dma_start3A_453 : memref<80x104xf32, #tpu.memory_space<vmem>>) offsets(%dma_start3A_460 : memref<80xi32, #tpu.memory_space<vmem>>) semaphore(%arg8 : memref<!tpu.dma_semaphore, #tpu.memory_space<semaphore_mem>>)
      } else {
      }
      %add3A_275 = arith.constant 1 : i32
      %add3A_276 = arith.addi %mul3A_176, %add3A_275 : i32
      %dma_wait3A_277 = arith.constant 1 : i32
      %dma_wait3A_278 = arith.constant 0 : i32
      %dma_wait3A_279 = arith.constant 1 : i32
      %dma_wait3A_280 = arith.constant 0 : i32
      %dma_wait3A_281 = arith.constant 0 : i32
      %dma_wait3A_282 = tpu.memref_slice %arg6[%dma_wait3A_279, %dma_wait3A_280, %dma_wait3A_281] : memref<2x320x104xf32, #tpu.memory_space<vmem>> -> memref<1x320x104xf32, #tpu.memory_space<vmem>>
      %dma_wait3A_283 = tpu.memref_squeeze %dma_wait3A_282 : memref<1x320x104xf32, #tpu.memory_space<vmem>> -> memref<320x104xf32, #tpu.memory_space<vmem>>
      %dma_wait3A_284 = arith.constant 0 : i32
      %dma_wait3A_285 = arith.constant 0 : i32
      %dma_wait3A_286 = tpu.memref_slice %dma_wait3A_283[%dma_wait3A_284, %dma_wait3A_285] : memref<320x104xf32, #tpu.memory_space<vmem>> -> memref<80x104xf32, #tpu.memory_space<vmem>>
      %dma_wait3A_287 = arith.constant 0 : i32
      %dma_wait3A_288 = arith.constant 0 : i32
      %dma_wait3A_289 = tpu.memref_slice %arg5[%dma_wait3A_277, %dma_wait3A_287, %dma_wait3A_288] : memref<2x4x80xi32, #tpu.memory_space<vmem>> -> memref<1x4x80xi32, #tpu.memory_space<vmem>>
      %dma_wait3A_290 = tpu.memref_squeeze %dma_wait3A_289 : memref<1x4x80xi32, #tpu.memory_space<vmem>> -> memref<4x80xi32, #tpu.memory_space<vmem>>
      %dma_wait3A_291 = arith.constant 0 : i32
      %dma_wait3A_292 = tpu.memref_slice %dma_wait3A_290[%dma_wait3A_278, %dma_wait3A_291] : memref<4x80xi32, #tpu.memory_space<vmem>> -> memref<1x80xi32, #tpu.memory_space<vmem>>
      %dma_wait3A_293 = tpu.memref_squeeze %dma_wait3A_292 : memref<1x80xi32, #tpu.memory_space<vmem>> -> memref<80xi32, #tpu.memory_space<vmem>>
      %dma_wait3A_294 = arith.constant 0 : i32
      %dma_wait3A_295 = arith.constant 0 : i32
      %dma_wait3A_296 = tpu.memref_slice %arg3[%dma_wait3A_294, %dma_wait3A_295] : memref<1000000x104xf32, #tpu.memory_space<hbm>> -> memref<1000000x104xf32, #tpu.memory_space<hbm>>
      tpu.wait_indirect_dma semaphore(%arg9 : memref<!tpu.dma_semaphore, #tpu.memory_space<semaphore_mem>>) src(%dma_wait3A_296 : memref<1000000x104xf32, #tpu.memory_space<hbm>>) dst(%dma_wait3A_286 : memref<80x104xf32, #tpu.memory_space<vmem>>)
      %dma_wait3A_297 = arith.constant 1 : i32
      %dma_wait3A_298 = arith.constant 1 : i32
      %dma_wait3A_299 = arith.constant 1 : i32
      %dma_wait3A_300 = arith.constant 0 : i32
      %dma_wait3A_301 = arith.constant 0 : i32
      %dma_wait3A_302 = tpu.memref_slice %arg6[%dma_wait3A_299, %dma_wait3A_300, %dma_wait3A_301] : memref<2x320x104xf32, #tpu.memory_space<vmem>> -> memref<1x320x104xf32, #tpu.memory_space<vmem>>
      %dma_wait3A_303 = tpu.memref_squeeze %dma_wait3A_302 : memref<1x320x104xf32, #tpu.memory_space<vmem>> -> memref<320x104xf32, #tpu.memory_space<vmem>>
      %dma_wait3A_304 = arith.constant 80 : i32
      %dma_wait3A_305 = arith.constant 0 : i32
      %dma_wait3A_306 = tpu.memref_slice %dma_wait3A_303[%dma_wait3A_304, %dma_wait3A_305] : memref<320x104xf32, #tpu.memory_space<vmem>> -> memref<80x104xf32, #tpu.memory_space<vmem>>
      %dma_wait3A_307 = arith.constant 0 : i32
      %dma_wait3A_308 = arith.constant 0 : i32
      %dma_wait3A_309 = tpu.memref_slice %arg5[%dma_wait3A_297, %dma_wait3A_307, %dma_wait3A_308] : memref<2x4x80xi32, #tpu.memory_space<vmem>> -> memref<1x4x80xi32, #tpu.memory_space<vmem>>
      %dma_wait3A_310 = tpu.memref_squeeze %dma_wait3A_309 : memref<1x4x80xi32, #tpu.memory_space<vmem>> -> memref<4x80xi32, #tpu.memory_space<vmem>>
      %dma_wait3A_311 = arith.constant 0 : i32
      %dma_wait3A_312 = tpu.memref_slice %dma_wait3A_310[%dma_wait3A_298, %dma_wait3A_311] : memref<4x80xi32, #tpu.memory_space<vmem>> -> memref<1x80xi32, #tpu.memory_space<vmem>>
      %dma_wait3A_313 = tpu.memref_squeeze %dma_wait3A_312 : memref<1x80xi32, #tpu.memory_space<vmem>> -> memref<80xi32, #tpu.memory_space<vmem>>
      %dma_wait3A_314 = arith.constant 0 : i32
      %dma_wait3A_315 = arith.constant 0 : i32
      %dma_wait3A_316 = tpu.memref_slice %arg3[%dma_wait3A_314, %dma_wait3A_315] : memref<1000000x104xf32, #tpu.memory_space<hbm>> -> memref<1000000x104xf32, #tpu.memory_space<hbm>>
      tpu.wait_indirect_dma semaphore(%arg9 : memref<!tpu.dma_semaphore, #tpu.memory_space<semaphore_mem>>) src(%dma_wait3A_316 : memref<1000000x104xf32, #tpu.memory_space<hbm>>) dst(%dma_wait3A_306 : memref<80x104xf32, #tpu.memory_space<vmem>>)
      %dma_wait3A_317 = arith.constant 1 : i32
      %dma_wait3A_318 = arith.constant 2 : i32
      %dma_wait3A_319 = arith.constant 1 : i32
      %dma_wait3A_320 = arith.constant 0 : i32
      %dma_wait3A_321 = arith.constant 0 : i32
      %dma_wait3A_322 = tpu.memref_slice %arg6[%dma_wait3A_319, %dma_wait3A_320, %dma_wait3A_321] : memref<2x320x104xf32, #tpu.memory_space<vmem>> -> memref<1x320x104xf32, #tpu.memory_space<vmem>>
      %dma_wait3A_323 = tpu.memref_squeeze %dma_wait3A_322 : memref<1x320x104xf32, #tpu.memory_space<vmem>> -> memref<320x104xf32, #tpu.memory_space<vmem>>
      %dma_wait3A_324 = arith.constant 160 : i32
      %dma_wait3A_325 = arith.constant 0 : i32
      %dma_wait3A_326 = tpu.memref_slice %dma_wait3A_323[%dma_wait3A_324, %dma_wait3A_325] : memref<320x104xf32, #tpu.memory_space<vmem>> -> memref<80x104xf32, #tpu.memory_space<vmem>>
      %dma_wait3A_327 = arith.constant 0 : i32
      %dma_wait3A_328 = arith.constant 0 : i32
      %dma_wait3A_329 = tpu.memref_slice %arg5[%dma_wait3A_317, %dma_wait3A_327, %dma_wait3A_328] : memref<2x4x80xi32, #tpu.memory_space<vmem>> -> memref<1x4x80xi32, #tpu.memory_space<vmem>>
      %dma_wait3A_330 = tpu.memref_squeeze %dma_wait3A_329 : memref<1x4x80xi32, #tpu.memory_space<vmem>> -> memref<4x80xi32, #tpu.memory_space<vmem>>
      %dma_wait3A_331 = arith.constant 0 : i32
      %dma_wait3A_332 = tpu.memref_slice %dma_wait3A_330[%dma_wait3A_318, %dma_wait3A_331] : memref<4x80xi32, #tpu.memory_space<vmem>> -> memref<1x80xi32, #tpu.memory_space<vmem>>
      %dma_wait3A_333 = tpu.memref_squeeze %dma_wait3A_332 : memref<1x80xi32, #tpu.memory_space<vmem>> -> memref<80xi32, #tpu.memory_space<vmem>>
      %dma_wait3A_334 = arith.constant 0 : i32
      %dma_wait3A_335 = arith.constant 0 : i32
      %dma_wait3A_336 = tpu.memref_slice %arg3[%dma_wait3A_334, %dma_wait3A_335] : memref<1000000x104xf32, #tpu.memory_space<hbm>> -> memref<1000000x104xf32, #tpu.memory_space<hbm>>
      tpu.wait_indirect_dma semaphore(%arg9 : memref<!tpu.dma_semaphore, #tpu.memory_space<semaphore_mem>>) src(%dma_wait3A_336 : memref<1000000x104xf32, #tpu.memory_space<hbm>>) dst(%dma_wait3A_326 : memref<80x104xf32, #tpu.memory_space<vmem>>)
      %dma_wait3A_337 = arith.constant 1 : i32
      %dma_wait3A_338 = arith.constant 3 : i32
      %dma_wait3A_339 = arith.constant 1 : i32
      %dma_wait3A_340 = arith.constant 0 : i32
      %dma_wait3A_341 = arith.constant 0 : i32
      %dma_wait3A_342 = tpu.memref_slice %arg6[%dma_wait3A_339, %dma_wait3A_340, %dma_wait3A_341] : memref<2x320x104xf32, #tpu.memory_space<vmem>> -> memref<1x320x104xf32, #tpu.memory_space<vmem>>
      %dma_wait3A_343 = tpu.memref_squeeze %dma_wait3A_342 : memref<1x320x104xf32, #tpu.memory_space<vmem>> -> memref<320x104xf32, #tpu.memory_space<vmem>>
      %dma_wait3A_344 = arith.constant 240 : i32
      %dma_wait3A_345 = arith.constant 0 : i32
      %dma_wait3A_346 = tpu.memref_slice %dma_wait3A_343[%dma_wait3A_344, %dma_wait3A_345] : memref<320x104xf32, #tpu.memory_space<vmem>> -> memref<80x104xf32, #tpu.memory_space<vmem>>
      %dma_wait3A_347 = arith.constant 0 : i32
      %dma_wait3A_348 = arith.constant 0 : i32
      %dma_wait3A_349 = tpu.memref_slice %arg5[%dma_wait3A_337, %dma_wait3A_347, %dma_wait3A_348] : memref<2x4x80xi32, #tpu.memory_space<vmem>> -> memref<1x4x80xi32, #tpu.memory_space<vmem>>
      %dma_wait3A_350 = tpu.memref_squeeze %dma_wait3A_349 : memref<1x4x80xi32, #tpu.memory_space<vmem>> -> memref<4x80xi32, #tpu.memory_space<vmem>>
      %dma_wait3A_351 = arith.constant 0 : i32
      %dma_wait3A_352 = tpu.memref_slice %dma_wait3A_350[%dma_wait3A_338, %dma_wait3A_351] : memref<4x80xi32, #tpu.memory_space<vmem>> -> memref<1x80xi32, #tpu.memory_space<vmem>>
      %dma_wait3A_353 = tpu.memref_squeeze %dma_wait3A_352 : memref<1x80xi32, #tpu.memory_space<vmem>> -> memref<80xi32, #tpu.memory_space<vmem>>
      %dma_wait3A_354 = arith.constant 0 : i32
      %dma_wait3A_355 = arith.constant 0 : i32
      %dma_wait3A_356 = tpu.memref_slice %arg3[%dma_wait3A_354, %dma_wait3A_355] : memref<1000000x104xf32, #tpu.memory_space<hbm>> -> memref<1000000x104xf32, #tpu.memory_space<hbm>>
      tpu.wait_indirect_dma semaphore(%arg9 : memref<!tpu.dma_semaphore, #tpu.memory_space<semaphore_mem>>) src(%dma_wait3A_356 : memref<1000000x104xf32, #tpu.memory_space<hbm>>) dst(%dma_wait3A_346 : memref<80x104xf32, #tpu.memory_space<vmem>>)
      %broadcast_in_dim3A_357 = arith.constant 2.500000e-02 : f32
      %broadcast_in_dim3A_358 = vector.broadcast %broadcast_in_dim3A_357 : f32 to vector<16xf32>
      %scan3A_359 = arith.constant 0 : i32
      %scan3A_360 = arith.constant 1 : i32
      %scan3A_361 = arith.constant 0 : i32
      %scan3A_362 = arith.constant 8 : i32
      %scan3A_363 = arith.addi %scan3A_361, %scan3A_362 : i32
      %scan3A_364 = arith.constant 1 : i32
      scf.for %scan3A_378 = %scan3A_361 to %scan3A_363 step %scan3A_364  : i32 {
        %mul3A_379 = arith.constant 40 : i32
        %mul3A_380 = arith.muli %scan3A_378, %mul3A_379 : i32
        %broadcast_in_dim3A_381 = arith.constant 0.000000e+00 : f32
        %broadcast_in_dim3A_382 = vector.broadcast %broadcast_in_dim3A_381 : f32 to vector<16xf32>
        %broadcast_in_dim3A_383 = arith.constant 0.000000e+00 : f32
        %broadcast_in_dim3A_384 = vector.broadcast %broadcast_in_dim3A_383 : f32 to vector<16xf32>
        %broadcast_in_dim3A_385 = arith.constant 0.000000e+00 : f32
        %broadcast_in_dim3A_386 = vector.broadcast %broadcast_in_dim3A_385 : f32 to vector<16xf32>
        %broadcast_in_dim3A_387 = arith.constant 0.000000e+00 : f32
        %broadcast_in_dim3A_388 = vector.broadcast %broadcast_in_dim3A_387 : f32 to vector<16xf32>
        %broadcast_in_dim3A_389 = arith.constant 0.000000e+00 : f32
        %broadcast_in_dim3A_390 = vector.broadcast %broadcast_in_dim3A_389 : f32 to vector<16xf32>
        %broadcast_in_dim3A_391 = arith.constant 0.000000e+00 : f32
        %broadcast_in_dim3A_392 = vector.broadcast %broadcast_in_dim3A_391 : f32 to vector<16xf32>
        %broadcast_in_dim3A_393 = arith.constant 0.000000e+00 : f32
        %broadcast_in_dim3A_394 = vector.broadcast %broadcast_in_dim3A_393 : f32 to vector<16xf32>
        %scan3A_395 = arith.constant 0 : i32
        %scan3A_396 = arith.constant 40 : i32
        %scan3A_397 = arith.addi %scan3A_395, %scan3A_396 : i32
        %scan3A_398 = arith.constant 1 : i32
        %scan3A_399:7 = scf.for %scan3A_463 = %scan3A_395 to %scan3A_397 step %scan3A_398 iter_args(%scan3A_464 = %broadcast_in_dim3A_382, %scan3A_465 = %broadcast_in_dim3A_384, %scan3A_466 = %broadcast_in_dim3A_386, %scan3A_467 = %broadcast_in_dim3A_388, %scan3A_468 = %broadcast_in_dim3A_390, %scan3A_469 = %broadcast_in_dim3A_392, %scan3A_470 = %broadcast_in_dim3A_394) -> (vector<16xf32>, vector<16xf32>, vector<16xf32>, vector<16xf32>, vector<16xf32>, vector<16xf32>, vector<16xf32>)  : i32 {
          %add3A_471 = arith.addi %mul3A_380, %scan3A_463 : i32
          %get3A = arith.constant 0 : i32
          %get3A_472 = arith.constant 0 : i32
          %get3A_473 = tpu.memref_slice %arg6[%scan3A_360, %get3A, %get3A_472] : memref<2x320x104xf32, #tpu.memory_space<vmem>> -> memref<1x320x104xf32, #tpu.memory_space<vmem>>
          %get3A_474 = tpu.memref_squeeze %get3A_473 : memref<1x320x104xf32, #tpu.memory_space<vmem>> -> memref<320x104xf32, #tpu.memory_space<vmem>>
          %get3A_475 = arith.index_cast %add3A_471 : i32 to index
          %get3A_476 = arith.constant 0 : index
          %get3A_477 = tpu.vector_load %get3A_474[%get3A_475, %get3A_476] {strides = array<i32>} : memref<320x104xf32, #tpu.memory_space<vmem>>, vector<1x16xf32>,
          %get3A_478 = vector.shape_cast %get3A_477 : vector<1x16xf32> to vector<16xf32>
          %add3A_479 = arith.addf %scan3A_464, %get3A_478 : vector<16xf32>
          %get3A_480 = arith.constant 0 : i32
          %get3A_481 = arith.constant 0 : i32
          %get3A_482 = tpu.memref_slice %arg6[%scan3A_360, %get3A_480, %get3A_481] : memref<2x320x104xf32, #tpu.memory_space<vmem>> -> memref<1x320x104xf32, #tpu.memory_space<vmem>>
          %get3A_483 = tpu.memref_squeeze %get3A_482 : memref<1x320x104xf32, #tpu.memory_space<vmem>> -> memref<320x104xf32, #tpu.memory_space<vmem>>
          %get3A_484 = arith.index_cast %add3A_471 : i32 to index
          %get3A_485 = arith.constant 16 : index
          %get3A_486 = tpu.vector_load %get3A_483[%get3A_484, %get3A_485] {strides = array<i32>} : memref<320x104xf32, #tpu.memory_space<vmem>>, vector<1x16xf32>,
          %get3A_487 = vector.shape_cast %get3A_486 : vector<1x16xf32> to vector<16xf32>
          %add3A_488 = arith.addf %scan3A_465, %get3A_487 : vector<16xf32>
          %get3A_489 = arith.constant 0 : i32
          %get3A_490 = arith.constant 0 : i32
          %get3A_491 = tpu.memref_slice %arg6[%scan3A_360, %get3A_489, %get3A_490] : memref<2x320x104xf32, #tpu.memory_space<vmem>> -> memref<1x320x104xf32, #tpu.memory_space<vmem>>
          %get3A_492 = tpu.memref_squeeze %get3A_491 : memref<1x320x104xf32, #tpu.memory_space<vmem>> -> memref<320x104xf32, #tpu.memory_space<vmem>>
          %get3A_493 = arith.index_cast %add3A_471 : i32 to index
          %get3A_494 = arith.constant 32 : index
          %get3A_495 = tpu.vector_load %get3A_492[%get3A_493, %get3A_494] {strides = array<i32>} : memref<320x104xf32, #tpu.memory_space<vmem>>, vector<1x16xf32>,
          %get3A_496 = vector.shape_cast %get3A_495 : vector<1x16xf32> to vector<16xf32>
          %add3A_497 = arith.addf %scan3A_466, %get3A_496 : vector<16xf32>
          %get3A_498 = arith.constant 0 : i32
          %get3A_499 = arith.constant 0 : i32
          %get3A_500 = tpu.memref_slice %arg6[%scan3A_360, %get3A_498, %get3A_499] : memref<2x320x104xf32, #tpu.memory_space<vmem>> -> memref<1x320x104xf32, #tpu.memory_space<vmem>>
          %get3A_501 = tpu.memref_squeeze %get3A_500 : memref<1x320x104xf32, #tpu.memory_space<vmem>> -> memref<320x104xf32, #tpu.memory_space<vmem>>
          %get3A_502 = arith.index_cast %add3A_471 : i32 to index
          %get3A_503 = arith.constant 48 : index
          %get3A_504 = tpu.vector_load %get3A_501[%get3A_502, %get3A_503] {strides = array<i32>} : memref<320x104xf32, #tpu.memory_space<vmem>>, vector<1x16xf32>,
          %get3A_505 = vector.shape_cast %get3A_504 : vector<1x16xf32> to vector<16xf32>
          %add3A_506 = arith.addf %scan3A_467, %get3A_505 : vector<16xf32>
          %get3A_507 = arith.constant 0 : i32
          %get3A_508 = arith.constant 0 : i32
          %get3A_509 = tpu.memref_slice %arg6[%scan3A_360, %get3A_507, %get3A_508] : memref<2x320x104xf32, #tpu.memory_space<vmem>> -> memref<1x320x104xf32, #tpu.memory_space<vmem>>
          %get3A_510 = tpu.memref_squeeze %get3A_509 : memref<1x320x104xf32, #tpu.memory_space<vmem>> -> memref<320x104xf32, #tpu.memory_space<vmem>>
          %get3A_511 = arith.index_cast %add3A_471 : i32 to index
          %get3A_512 = arith.constant 64 : index
          %get3A_513 = tpu.vector_load %get3A_510[%get3A_511, %get3A_512] {strides = array<i32>} : memref<320x104xf32, #tpu.memory_space<vmem>>, vector<1x16xf32>,
          %get3A_514 = vector.shape_cast %get3A_513 : vector<1x16xf32> to vector<16xf32>
          %add3A_515 = arith.addf %scan3A_468, %get3A_514 : vector<16xf32>
          %get3A_516 = arith.constant 0 : i32
          %get3A_517 = arith.constant 0 : i32
          %get3A_518 = tpu.memref_slice %arg6[%scan3A_360, %get3A_516, %get3A_517] : memref<2x320x104xf32, #tpu.memory_space<vmem>> -> memref<1x320x104xf32, #tpu.memory_space<vmem>>
          %get3A_519 = tpu.memref_squeeze %get3A_518 : memref<1x320x104xf32, #tpu.memory_space<vmem>> -> memref<320x104xf32, #tpu.memory_space<vmem>>
          %get3A_520 = arith.index_cast %add3A_471 : i32 to index
          %get3A_521 = arith.constant 80 : index
          %get3A_522 = tpu.vector_load %get3A_519[%get3A_520, %get3A_521] {strides = array<i32>} : memref<320x104xf32, #tpu.memory_space<vmem>>, vector<1x16xf32>,
          %get3A_523 = vector.shape_cast %get3A_522 : vector<1x16xf32> to vector<16xf32>
          %add3A_524 = arith.addf %scan3A_469, %get3A_523 : vector<16xf32>
          %get3A_525 = arith.constant 0 : i32
          %get3A_526 = arith.constant 0 : i32
          %get3A_527 = tpu.memref_slice %arg6[%scan3A_360, %get3A_525, %get3A_526] : memref<2x320x104xf32, #tpu.memory_space<vmem>> -> memref<1x320x104xf32, #tpu.memory_space<vmem>>
          %get3A_528 = tpu.memref_squeeze %get3A_527 : memref<1x320x104xf32, #tpu.memory_space<vmem>> -> memref<320x104xf32, #tpu.memory_space<vmem>>
          %get3A_529 = arith.index_cast %add3A_471 : i32 to index
          %get3A_530 = arith.constant 84 : index
          %get3A_531 = tpu.vector_load %get3A_528[%get3A_529, %get3A_530] {strides = array<i32>} : memref<320x104xf32, #tpu.memory_space<vmem>>, vector<1x16xf32>,
          %get3A_532 = vector.shape_cast %get3A_531 : vector<1x16xf32> to vector<16xf32>
          %add3A_533 = arith.addf %scan3A_470, %get3A_532 : vector<16xf32>
          scf.yield %add3A_479, %add3A_488, %add3A_497, %add3A_506, %add3A_515, %add3A_524, %add3A_533 : vector<16xf32>, vector<16xf32>, vector<16xf32>, vector<16xf32>, vector<16xf32>, vector<16xf32>, vector<16xf32>
        }
        %scan3A_400 = arith.constant 40 : i32
        %mul3A_401 = arith.mulf %scan3A_399#0, %broadcast_in_dim3A_358 : vector<16xf32>
        %mul3A_402 = arith.constant 100 : i32
        %mul3A_403 = arith.muli %scan3A_378, %mul3A_402 : i32
        %add3A_404 = arith.constant 0 : i32
        %add3A_405 = arith.addi %mul3A_403, %add3A_404 : i32
        %swap3A = arith.index_cast %add3A_405 : i32 to index
        %swap3A_406 = tpu.vector_load %arg7[%swap3A] {strides = array<i32>} : memref<800xf32, #tpu.memory_space<vmem>>, vector<16xf32>,
        %swap3A_407 = vector.shape_cast %swap3A_406 : vector<16xf32> to vector<16xf32>
        %swap3A_408 = vector.shape_cast %mul3A_401 : vector<16xf32> to vector<16xf32>
        tpu.vector_store %arg7[%swap3A], %swap3A_408 {strides = array<i32>} : memref<800xf32, #tpu.memory_space<vmem>>, vector<16xf32>,
        %mul3A_409 = arith.mulf %scan3A_399#1, %broadcast_in_dim3A_358 : vector<16xf32>
        %mul3A_410 = arith.constant 100 : i32
        %mul3A_411 = arith.muli %scan3A_378, %mul3A_410 : i32
        %add3A_412 = arith.constant 16 : i32
        %add3A_413 = arith.addi %mul3A_411, %add3A_412 : i32
        %swap3A_414 = arith.index_cast %add3A_413 : i32 to index
        %swap3A_415 = tpu.vector_load %arg7[%swap3A_414] {strides = array<i32>} : memref<800xf32, #tpu.memory_space<vmem>>, vector<16xf32>,
        %swap3A_416 = vector.shape_cast %swap3A_415 : vector<16xf32> to vector<16xf32>
        %swap3A_417 = vector.shape_cast %mul3A_409 : vector<16xf32> to vector<16xf32>
        tpu.vector_store %arg7[%swap3A_414], %swap3A_417 {strides = array<i32>} : memref<800xf32, #tpu.memory_space<vmem>>, vector<16xf32>,
        %mul3A_418 = arith.mulf %scan3A_399#2, %broadcast_in_dim3A_358 : vector<16xf32>
        %mul3A_419 = arith.constant 100 : i32
        %mul3A_420 = arith.muli %scan3A_378, %mul3A_419 : i32
        %add3A_421 = arith.constant 32 : i32
        %add3A_422 = arith.addi %mul3A_420, %add3A_421 : i32
        %swap3A_423 = arith.index_cast %add3A_422 : i32 to index
        %swap3A_424 = tpu.vector_load %arg7[%swap3A_423] {strides = array<i32>} : memref<800xf32, #tpu.memory_space<vmem>>, vector<16xf32>,
        %swap3A_425 = vector.shape_cast %swap3A_424 : vector<16xf32> to vector<16xf32>
        %swap3A_426 = vector.shape_cast %mul3A_418 : vector<16xf32> to vector<16xf32>
        tpu.vector_store %arg7[%swap3A_423], %swap3A_426 {strides = array<i32>} : memref<800xf32, #tpu.memory_space<vmem>>, vector<16xf32>,
        %mul3A_427 = arith.mulf %scan3A_399#3, %broadcast_in_dim3A_358 : vector<16xf32>
        %mul3A_428 = arith.constant 100 : i32
        %mul3A_429 = arith.muli %scan3A_378, %mul3A_428 : i32
        %add3A_430 = arith.constant 48 : i32
        %add3A_431 = arith.addi %mul3A_429, %add3A_430 : i32
        %swap3A_432 = arith.index_cast %add3A_431 : i32 to index
        %swap3A_433 = tpu.vector_load %arg7[%swap3A_432] {strides = array<i32>} : memref<800xf32, #tpu.memory_space<vmem>>, vector<16xf32>,
        %swap3A_434 = vector.shape_cast %swap3A_433 : vector<16xf32> to vector<16xf32>
        %swap3A_435 = vector.shape_cast %mul3A_427 : vector<16xf32> to vector<16xf32>
        tpu.vector_store %arg7[%swap3A_432], %swap3A_435 {strides = array<i32>} : memref<800xf32, #tpu.memory_space<vmem>>, vector<16xf32>,
        %mul3A_436 = arith.mulf %scan3A_399#4, %broadcast_in_dim3A_358 : vector<16xf32>
        %mul3A_437 = arith.constant 100 : i32
        %mul3A_438 = arith.muli %scan3A_378, %mul3A_437 : i32
        %add3A_439 = arith.constant 64 : i32
        %add3A_440 = arith.addi %mul3A_438, %add3A_439 : i32
        %swap3A_441 = arith.index_cast %add3A_440 : i32 to index
        %swap3A_442 = tpu.vector_load %arg7[%swap3A_441] {strides = array<i32>} : memref<800xf32, #tpu.memory_space<vmem>>, vector<16xf32>,
        %swap3A_443 = vector.shape_cast %swap3A_442 : vector<16xf32> to vector<16xf32>
        %swap3A_444 = vector.shape_cast %mul3A_436 : vector<16xf32> to vector<16xf32>
        tpu.vector_store %arg7[%swap3A_441], %swap3A_444 {strides = array<i32>} : memref<800xf32, #tpu.memory_space<vmem>>, vector<16xf32>,
        %mul3A_445 = arith.mulf %scan3A_399#5, %broadcast_in_dim3A_358 : vector<16xf32>
        %mul3A_446 = arith.constant 100 : i32
        %mul3A_447 = arith.muli %scan3A_378, %mul3A_446 : i32
        %add3A_448 = arith.constant 80 : i32
        %add3A_449 = arith.addi %mul3A_447, %add3A_448 : i32
        %swap3A_450 = arith.index_cast %add3A_449 : i32 to index
        %swap3A_451 = tpu.vector_load %arg7[%swap3A_450] {strides = array<i32>} : memref<800xf32, #tpu.memory_space<vmem>>, vector<16xf32>,
        %swap3A_452 = vector.shape_cast %swap3A_451 : vector<16xf32> to vector<16xf32>
        %swap3A_453 = vector.shape_cast %mul3A_445 : vector<16xf32> to vector<16xf32>
        tpu.vector_store %arg7[%swap3A_450], %swap3A_453 {strides = array<i32>} : memref<800xf32, #tpu.memory_space<vmem>>, vector<16xf32>,
        %mul3A_454 = arith.mulf %scan3A_399#6, %broadcast_in_dim3A_358 : vector<16xf32>
        %mul3A_455 = arith.constant 100 : i32
        %mul3A_456 = arith.muli %scan3A_378, %mul3A_455 : i32
        %add3A_457 = arith.constant 84 : i32
        %add3A_458 = arith.addi %mul3A_456, %add3A_457 : i32
        %swap3A_459 = arith.index_cast %add3A_458 : i32 to index
        %swap3A_460 = tpu.vector_load %arg7[%swap3A_459] {strides = array<i32>} : memref<800xf32, #tpu.memory_space<vmem>>, vector<16xf32>,
        %swap3A_461 = vector.shape_cast %swap3A_460 : vector<16xf32> to vector<16xf32>
        %swap3A_462 = vector.shape_cast %mul3A_454 : vector<16xf32> to vector<16xf32>
        tpu.vector_store %arg7[%swap3A_459], %swap3A_462 {strides = array<i32>} : memref<800xf32, #tpu.memory_space<vmem>>, vector<16xf32>,
      }
      %scan3A_365 = arith.constant 8 : i32
      %mul3A_366 = arith.constant 8 : i32
      %mul3A_367 = arith.muli %add3A_276, %mul3A_366 : i32
      %add3A_368 = arith.addi %mul3A_4, %mul3A_367 : i32
      %mul3A_369 = arith.constant 100 : i32
      %mul3A_370 = arith.muli %add3A_368, %mul3A_369 : i32
      "tpu.region"() ({
        %run_scoped3A_378 = tpu.sem_alloc : memref<!tpu.dma_semaphore, #tpu.memory_space<semaphore_mem>>
        %dma_start3A_379 = tpu.memref_slice %arg4[%mul3A_370] : memref<1638400xf32, #tpu.memory_space<hbm>> -> memref<800xf32, #tpu.memory_space<hbm>>
        %dma_start3A_380 = tpu.memref_slice %arg4[%mul3A_370] : memref<1638400xf32, #tpu.memory_space<hbm>> -> memref<800xf32, #tpu.memory_space<hbm>>
        tpu.enqueue_dma source(%arg7 : memref<800xf32, #tpu.memory_space<vmem>>) target(%dma_start3A_380 : memref<800xf32, #tpu.memory_space<hbm>>) target_semaphore(%run_scoped3A_378 : memref<!tpu.dma_semaphore, #tpu.memory_space<semaphore_mem>>)
        %dma_wait3A_381 = tpu.memref_slice %arg4[%mul3A_370] : memref<1638400xf32, #tpu.memory_space<hbm>> -> memref<800xf32, #tpu.memory_space<hbm>>
        %dma_wait3A_382 = tpu.memref_slice %arg4[%mul3A_370] : memref<1638400xf32, #tpu.memory_space<hbm>> -> memref<800xf32, #tpu.memory_space<hbm>>
        tpu.wait_dma2 semaphore(%run_scoped3A_378 : memref<!tpu.dma_semaphore, #tpu.memory_space<semaphore_mem>>) src(%arg7 : memref<800xf32, #tpu.memory_space<vmem>>) dst(%dma_wait3A_382 : memref<800xf32, #tpu.memory_space<hbm>>)
        tpu.yield
      }) : () -> ()
      %add3A_371 = arith.constant 2 : i32
      %add3A_372 = arith.addi %add3A_276, %add3A_371 : i32
      %lt3A_373 = arith.constant 64 : i32
      %lt3A_374 = arith.cmpi slt, %add3A_372, %lt3A_373 : i32
      %convert_element_type3A_375 = arith.extui %lt3A_374 : i1 to i32
      %cond3A_376 = arith.constant 0 : i32
      %cond3A_377 = arith.cmpi ne, %convert_element_type3A_375, %cond3A_376 : i32
      scf.if %cond3A_377 {
        %add3A_378 = arith.constant 2 : i32
        %add3A_379 = arith.addi %add3A_276, %add3A_378 : i32
        %mul3A_380 = arith.constant 4 : i32
        %mul3A_381 = arith.muli %add3A_379, %mul3A_380 : i32
        %add3A_382 = arith.addi %mul3A_2, %mul3A_381 : i32
        %run_scoped3A_383 = arith.constant 1 : i32
        "tpu.region"() ({
          %run_scoped3A_464 = tpu.sem_alloc : memref<!tpu.dma_semaphore, #tpu.memory_space<semaphore_mem>>
          %dma_start3A_465 = arith.constant 0 : i32
          %dma_start3A_466 = arith.constant 0 : i32
          %dma_start3A_467 = tpu.memref_slice %arg5[%run_scoped3A_383, %dma_start3A_465, %dma_start3A_466] : memref<2x4x80xi32, #tpu.memory_space<vmem>> -> memref<1x4x80xi32, #tpu.memory_space<vmem>>
          %dma_start3A_468 = tpu.memref_squeeze %dma_start3A_467 : memref<1x4x80xi32, #tpu.memory_space<vmem>> -> memref<4x80xi32, #tpu.memory_space<vmem>>
          %dma_start3A_469 = arith.constant 0 : i32
          %dma_start3A_470 = tpu.memref_slice %arg2[%add3A_382, %dma_start3A_469] : memref<8192x80xi32, #tpu.memory_space<hbm>> -> memref<4x80xi32, #tpu.memory_space<hbm>>
          %dma_start3A_471 = arith.constant 0 : i32
          %dma_start3A_472 = arith.constant 0 : i32
          %dma_start3A_473 = tpu.memref_slice %arg5[%run_scoped3A_383, %dma_start3A_471, %dma_start3A_472] : memref<2x4x80xi32, #tpu.memory_space<vmem>> -> memref<1x4x80xi32, #tpu.memory_space<vmem>>
          %dma_start3A_474 = tpu.memref_squeeze %dma_start3A_473 : memref<1x4x80xi32, #tpu.memory_space<vmem>> -> memref<4x80xi32, #tpu.memory_space<vmem>>
          %dma_start3A_475 = arith.constant 0 : i32
          %dma_start3A_476 = tpu.memref_slice %arg2[%add3A_382, %dma_start3A_475] : memref<8192x80xi32, #tpu.memory_space<hbm>> -> memref<4x80xi32, #tpu.memory_space<hbm>>
          tpu.enqueue_dma source(%dma_start3A_476 : memref<4x80xi32, #tpu.memory_space<hbm>>) target(%dma_start3A_474 : memref<4x80xi32, #tpu.memory_space<vmem>>) target_semaphore(%run_scoped3A_464 : memref<!tpu.dma_semaphore, #tpu.memory_space<semaphore_mem>>)
          %dma_wait3A_477 = arith.constant 0 : i32
          %dma_wait3A_478 = arith.constant 0 : i32
          %dma_wait3A_479 = tpu.memref_slice %arg5[%run_scoped3A_383, %dma_wait3A_477, %dma_wait3A_478] : memref<2x4x80xi32, #tpu.memory_space<vmem>> -> memref<1x4x80xi32, #tpu.memory_space<vmem>>
          %dma_wait3A_480 = tpu.memref_squeeze %dma_wait3A_479 : memref<1x4x80xi32, #tpu.memory_space<vmem>> -> memref<4x80xi32, #tpu.memory_space<vmem>>
          %dma_wait3A_481 = arith.constant 0 : i32
          %dma_wait3A_482 = tpu.memref_slice %arg2[%add3A_382, %dma_wait3A_481] : memref<8192x80xi32, #tpu.memory_space<hbm>> -> memref<4x80xi32, #tpu.memory_space<hbm>>
          %dma_wait3A_483 = arith.constant 0 : i32
          %dma_wait3A_484 = arith.constant 0 : i32
          %dma_wait3A_485 = tpu.memref_slice %arg5[%run_scoped3A_383, %dma_wait3A_483, %dma_wait3A_484] : memref<2x4x80xi32, #tpu.memory_space<vmem>> -> memref<1x4x80xi32, #tpu.memory_space<vmem>>
          %dma_wait3A_486 = tpu.memref_squeeze %dma_wait3A_485 : memref<1x4x80xi32, #tpu.memory_space<vmem>> -> memref<4x80xi32, #tpu.memory_space<vmem>>
          %dma_wait3A_487 = arith.constant 0 : i32
          %dma_wait3A_488 = tpu.memref_slice %arg2[%add3A_382, %dma_wait3A_487] : memref<8192x80xi32, #tpu.memory_space<hbm>> -> memref<4x80xi32, #tpu.memory_space<hbm>>
          tpu.wait_dma2 semaphore(%run_scoped3A_464 : memref<!tpu.dma_semaphore, #tpu.memory_space<semaphore_mem>>) src(%dma_wait3A_488 : memref<4x80xi32, #tpu.memory_space<hbm>>) dst(%dma_wait3A_486 : memref<4x80xi32, #tpu.memory_space<vmem>>)
          tpu.yield
        }) : () -> ()
        %dma_start3A_384 = arith.constant 1 : i32
        %dma_start3A_385 = arith.constant 0 : i32
        %dma_start3A_386 = arith.constant 1 : i32
        %dma_start3A_387 = arith.constant 0 : i32
        %dma_start3A_388 = arith.constant 0 : i32
        %dma_start3A_389 = tpu.memref_slice %arg6[%dma_start3A_386, %dma_start3A_387, %dma_start3A_388] : memref<2x320x104xf32, #tpu.memory_space<vmem>> -> memref<1x320x104xf32, #tpu.memory_space<vmem>>
        %dma_start3A_390 = tpu.memref_squeeze %dma_start3A_389 : memref<1x320x104xf32, #tpu.memory_space<vmem>> -> memref<320x104xf32, #tpu.memory_space<vmem>>
        %dma_start3A_391 = arith.constant 0 : i32
        %dma_start3A_392 = arith.constant 0 : i32
        %dma_start3A_393 = tpu.memref_slice %dma_start3A_390[%dma_start3A_391, %dma_start3A_392] : memref<320x104xf32, #tpu.memory_space<vmem>> -> memref<80x104xf32, #tpu.memory_space<vmem>>
        %dma_start3A_394 = arith.constant 0 : i32
        %dma_start3A_395 = arith.constant 0 : i32
        %dma_start3A_396 = tpu.memref_slice %arg5[%dma_start3A_384, %dma_start3A_394, %dma_start3A_395] : memref<2x4x80xi32, #tpu.memory_space<vmem>> -> memref<1x4x80xi32, #tpu.memory_space<vmem>>
        %dma_start3A_397 = tpu.memref_squeeze %dma_start3A_396 : memref<1x4x80xi32, #tpu.memory_space<vmem>> -> memref<4x80xi32, #tpu.memory_space<vmem>>
        %dma_start3A_398 = arith.constant 0 : i32
        %dma_start3A_399 = tpu.memref_slice %dma_start3A_397[%dma_start3A_385, %dma_start3A_398] : memref<4x80xi32, #tpu.memory_space<vmem>> -> memref<1x80xi32, #tpu.memory_space<vmem>>
        %dma_start3A_400 = tpu.memref_squeeze %dma_start3A_399 : memref<1x80xi32, #tpu.memory_space<vmem>> -> memref<80xi32, #tpu.memory_space<vmem>>
        %dma_start3A_401 = arith.constant 0 : i32
        %dma_start3A_402 = arith.constant 0 : i32
        %dma_start3A_403 = tpu.memref_slice %arg3[%dma_start3A_401, %dma_start3A_402] : memref<1000000x104xf32, #tpu.memory_space<hbm>> -> memref<1000000x104xf32, #tpu.memory_space<hbm>>
        tpu.enqueue_indirect_dma source(%dma_start3A_403 : memref<1000000x104xf32, #tpu.memory_space<hbm>>) target(%dma_start3A_393 : memref<80x104xf32, #tpu.memory_space<vmem>>) offsets(%dma_start3A_400 : memref<80xi32, #tpu.memory_space<vmem>>) semaphore(%arg9 : memref<!tpu.dma_semaphore, #tpu.memory_space<semaphore_mem>>)
        %dma_start3A_404 = arith.constant 1 : i32
        %dma_start3A_405 = arith.constant 1 : i32
        %dma_start3A_406 = arith.constant 1 : i32
        %dma_start3A_407 = arith.constant 0 : i32
        %dma_start3A_408 = arith.constant 0 : i32
        %dma_start3A_409 = tpu.memref_slice %arg6[%dma_start3A_406, %dma_start3A_407, %dma_start3A_408] : memref<2x320x104xf32, #tpu.memory_space<vmem>> -> memref<1x320x104xf32, #tpu.memory_space<vmem>>
        %dma_start3A_410 = tpu.memref_squeeze %dma_start3A_409 : memref<1x320x104xf32, #tpu.memory_space<vmem>> -> memref<320x104xf32, #tpu.memory_space<vmem>>
        %dma_start3A_411 = arith.constant 80 : i32
        %dma_start3A_412 = arith.constant 0 : i32
        %dma_start3A_413 = tpu.memref_slice %dma_start3A_410[%dma_start3A_411, %dma_start3A_412] : memref<320x104xf32, #tpu.memory_space<vmem>> -> memref<80x104xf32, #tpu.memory_space<vmem>>
        %dma_start3A_414 = arith.constant 0 : i32
        %dma_start3A_415 = arith.constant 0 : i32
        %dma_start3A_416 = tpu.memref_slice %arg5[%dma_start3A_404, %dma_start3A_414, %dma_start3A_415] : memref<2x4x80xi32, #tpu.memory_space<vmem>> -> memref<1x4x80xi32, #tpu.memory_space<vmem>>
        %dma_start3A_417 = tpu.memref_squeeze %dma_start3A_416 : memref<1x4x80xi32, #tpu.memory_space<vmem>> -> memref<4x80xi32, #tpu.memory_space<vmem>>
        %dma_start3A_418 = arith.constant 0 : i32
        %dma_start3A_419 = tpu.memref_slice %dma_start3A_417[%dma_start3A_405, %dma_start3A_418] : memref<4x80xi32, #tpu.memory_space<vmem>> -> memref<1x80xi32, #tpu.memory_space<vmem>>
        %dma_start3A_420 = tpu.memref_squeeze %dma_start3A_419 : memref<1x80xi32, #tpu.memory_space<vmem>> -> memref<80xi32, #tpu.memory_space<vmem>>
        %dma_start3A_421 = arith.constant 0 : i32
        %dma_start3A_422 = arith.constant 0 : i32
        %dma_start3A_423 = tpu.memref_slice %arg3[%dma_start3A_421, %dma_start3A_422] : memref<1000000x104xf32, #tpu.memory_space<hbm>> -> memref<1000000x104xf32, #tpu.memory_space<hbm>>
        tpu.enqueue_indirect_dma source(%dma_start3A_423 : memref<1000000x104xf32, #tpu.memory_space<hbm>>) target(%dma_start3A_413 : memref<80x104xf32, #tpu.memory_space<vmem>>) offsets(%dma_start3A_420 : memref<80xi32, #tpu.memory_space<vmem>>) semaphore(%arg9 : memref<!tpu.dma_semaphore, #tpu.memory_space<semaphore_mem>>)
        %dma_start3A_424 = arith.constant 1 : i32
        %dma_start3A_425 = arith.constant 2 : i32
        %dma_start3A_426 = arith.constant 1 : i32
        %dma_start3A_427 = arith.constant 0 : i32
        %dma_start3A_428 = arith.constant 0 : i32
        %dma_start3A_429 = tpu.memref_slice %arg6[%dma_start3A_426, %dma_start3A_427, %dma_start3A_428] : memref<2x320x104xf32, #tpu.memory_space<vmem>> -> memref<1x320x104xf32, #tpu.memory_space<vmem>>
        %dma_start3A_430 = tpu.memref_squeeze %dma_start3A_429 : memref<1x320x104xf32, #tpu.memory_space<vmem>> -> memref<320x104xf32, #tpu.memory_space<vmem>>
        %dma_start3A_431 = arith.constant 160 : i32
        %dma_start3A_432 = arith.constant 0 : i32
        %dma_start3A_433 = tpu.memref_slice %dma_start3A_430[%dma_start3A_431, %dma_start3A_432] : memref<320x104xf32, #tpu.memory_space<vmem>> -> memref<80x104xf32, #tpu.memory_space<vmem>>
        %dma_start3A_434 = arith.constant 0 : i32
        %dma_start3A_435 = arith.constant 0 : i32
        %dma_start3A_436 = tpu.memref_slice %arg5[%dma_start3A_424, %dma_start3A_434, %dma_start3A_435] : memref<2x4x80xi32, #tpu.memory_space<vmem>> -> memref<1x4x80xi32, #tpu.memory_space<vmem>>
        %dma_start3A_437 = tpu.memref_squeeze %dma_start3A_436 : memref<1x4x80xi32, #tpu.memory_space<vmem>> -> memref<4x80xi32, #tpu.memory_space<vmem>>
        %dma_start3A_438 = arith.constant 0 : i32
        %dma_start3A_439 = tpu.memref_slice %dma_start3A_437[%dma_start3A_425, %dma_start3A_438] : memref<4x80xi32, #tpu.memory_space<vmem>> -> memref<1x80xi32, #tpu.memory_space<vmem>>
        %dma_start3A_440 = tpu.memref_squeeze %dma_start3A_439 : memref<1x80xi32, #tpu.memory_space<vmem>> -> memref<80xi32, #tpu.memory_space<vmem>>
        %dma_start3A_441 = arith.constant 0 : i32
        %dma_start3A_442 = arith.constant 0 : i32
        %dma_start3A_443 = tpu.memref_slice %arg3[%dma_start3A_441, %dma_start3A_442] : memref<1000000x104xf32, #tpu.memory_space<hbm>> -> memref<1000000x104xf32, #tpu.memory_space<hbm>>
        tpu.enqueue_indirect_dma source(%dma_start3A_443 : memref<1000000x104xf32, #tpu.memory_space<hbm>>) target(%dma_start3A_433 : memref<80x104xf32, #tpu.memory_space<vmem>>) offsets(%dma_start3A_440 : memref<80xi32, #tpu.memory_space<vmem>>) semaphore(%arg9 : memref<!tpu.dma_semaphore, #tpu.memory_space<semaphore_mem>>)
        %dma_start3A_444 = arith.constant 1 : i32
        %dma_start3A_445 = arith.constant 3 : i32
        %dma_start3A_446 = arith.constant 1 : i32
        %dma_start3A_447 = arith.constant 0 : i32
        %dma_start3A_448 = arith.constant 0 : i32
        %dma_start3A_449 = tpu.memref_slice %arg6[%dma_start3A_446, %dma_start3A_447, %dma_start3A_448] : memref<2x320x104xf32, #tpu.memory_space<vmem>> -> memref<1x320x104xf32, #tpu.memory_space<vmem>>
        %dma_start3A_450 = tpu.memref_squeeze %dma_start3A_449 : memref<1x320x104xf32, #tpu.memory_space<vmem>> -> memref<320x104xf32, #tpu.memory_space<vmem>>
        %dma_start3A_451 = arith.constant 240 : i32
        %dma_start3A_452 = arith.constant 0 : i32
        %dma_start3A_453 = tpu.memref_slice %dma_start3A_450[%dma_start3A_451, %dma_start3A_452] : memref<320x104xf32, #tpu.memory_space<vmem>> -> memref<80x104xf32, #tpu.memory_space<vmem>>
        %dma_start3A_454 = arith.constant 0 : i32
        %dma_start3A_455 = arith.constant 0 : i32
        %dma_start3A_456 = tpu.memref_slice %arg5[%dma_start3A_444, %dma_start3A_454, %dma_start3A_455] : memref<2x4x80xi32, #tpu.memory_space<vmem>> -> memref<1x4x80xi32, #tpu.memory_space<vmem>>
        %dma_start3A_457 = tpu.memref_squeeze %dma_start3A_456 : memref<1x4x80xi32, #tpu.memory_space<vmem>> -> memref<4x80xi32, #tpu.memory_space<vmem>>
        %dma_start3A_458 = arith.constant 0 : i32
        %dma_start3A_459 = tpu.memref_slice %dma_start3A_457[%dma_start3A_445, %dma_start3A_458] : memref<4x80xi32, #tpu.memory_space<vmem>> -> memref<1x80xi32, #tpu.memory_space<vmem>>
        %dma_start3A_460 = tpu.memref_squeeze %dma_start3A_459 : memref<1x80xi32, #tpu.memory_space<vmem>> -> memref<80xi32, #tpu.memory_space<vmem>>
        %dma_start3A_461 = arith.constant 0 : i32
        %dma_start3A_462 = arith.constant 0 : i32
        %dma_start3A_463 = tpu.memref_slice %arg3[%dma_start3A_461, %dma_start3A_462] : memref<1000000x104xf32, #tpu.memory_space<hbm>> -> memref<1000000x104xf32, #tpu.memory_space<hbm>>
        tpu.enqueue_indirect_dma source(%dma_start3A_463 : memref<1000000x104xf32, #tpu.memory_space<hbm>>) target(%dma_start3A_453 : memref<80x104xf32, #tpu.memory_space<vmem>>) offsets(%dma_start3A_460 : memref<80xi32, #tpu.memory_space<vmem>>) semaphore(%arg9 : memref<!tpu.dma_semaphore, #tpu.memory_space<semaphore_mem>>)
      } else {
      }
    }
    %scan3A_173 = arith.constant 32 : i32
    return
  }
}

</mosaic_0001>

<sc_bundles>
// kernel: kernel.3.cloned.1.call-start
scs
__scs_entry_jumppad:
0x0: {  	(pc) =	sbr.rel $0x88, $3  }
0x1: {  	(tag) =	ssettag $0x0;
	lr =	simm.s32 $0x1  }
0x2: {  	[smem:$0x3F9F] =	sst lr;
	_ =	strace $0xD0000000  }
0x3: {  	_ = 	snop  }
0x4: {  	_ = 	snop  }
0x5: {  	_ = 	snop  }
0x6: {  	_ = 	snop  }
0x7: {  	_ = 	snop  }
__scs_overlays_trampoline_lowered:
0x8: {  	[smem:$0x3FAE] =	sst s0  }
0x9: {  	[smem:$0x3FAF] =	sst s1  }
0xa: {  	[smem:$0x3FB0] =	sst s2  }
0xb: {  	[smem:$0x3FB1] =	sst s3  }
0xc: {  	[smem:$0x3FB2] =	sst s4  }
0xd: {  	[smem:$0x3FB3] =	sst s5  }
0xe: {  	[smem:$0x3FB4] =	sst s6  }
0xf: {  	[smem:$0x3FB5] =	sst s7  }
0x10: {  	[smem:$0x3FB6] =	sst s8  }
0x11: {  	[smem:$0x3FB7] =	sst s9;
	s0 =	simm.s32 @!p0 $0x0  }
0x12: {  	s1 =	sld [smem:$0x3F9D];
	s0 =	simm.s32 @p0 $0x1  }
0x13: {  	[smem:$0x3FB8] =	sst s0;
	s0 =	simm.s32 @!p1 $0x0  }
0x14: {  	s2 =	sld [smem:$0x3F9C];
	s0 =	simm.s32 @p1 $0x1  }
0x15: {  	[smem:$0x3FB9] =	sst s0;
	s0 =	simm.s32 @!p2 $0x0  }
0x16: {  	s3 =	sld [smem:$0x3FDB];
	s0 =	simm.s32 @p2 $0x1  }
0x17: {  	s4 =	simm.s32 $0x1BF5;
	[smem:$0x3FBB] =	sst s0  }
0x18: {  	s0 =	sld [smem:$0x3F9E];
	_ =	swait.ge [sflag:s4], $0x0  }
0x19: {  	s7 =	sld [smem:$0x3F9F]  }
0x1a: {  	s8 =	sadd.s32 $0xFFFFE003, lr  }
0x1b: {  	s9 =	sadd.s32 $0xFFFFFEF7, lr;
	s5 =	simm.s32 $0xFFFFFFFF;
	p2 =	slt.u32 s8, $0xFFFFF086  }
0x1c: {  	p1 =	slt.u32 s9, $0xF7A;
	s5 =	simm.s32 @!p2 $0x0  }
0x1d: {  	s5 =	simm.s32 @p1 $0x1;
	p0 =	seq.s32 s7, s2  }
0x1e: {  	s7 =	smul.u32 @!p0 $0xF7A, s2;
	p2 =	seq.s32 @!p0 s5, $0x0  }
0x1f: {  	s9 =	smul.u32 $0xF7A, s1;
	s8 =	simm.s32 @!p0 $0x1BF5;
	p2 =	por !p2, p0  }
0x20: {  	[sflag:s8] =	ssyncset.s32 @!p0 $0xFFFFF086;
	s6 =	sadd.s32 @!p0 s3, s7;
	s7 =	simm.s32 @!p0 $0x108  }
0x21: {  	s3 =	sadd.s32 s3, s9;
	s6 =	sadd.s32 @!p0 $0x88, s6;
	s7 =	simm.s32 @p2 $0x1082  }
0x22: {  	[simem:s7], [sflag:s8] =	dma.local @!p0 [hbm:s6], $0xF7A  }
0x23: {  	s9 =	sor.u32 $0xD0000000, s2;
	s6 =	simm.s32 $0x108;
	_ =	swait.ge @!p0 [sflag:s8], $0x0  }
0x24: {  	s3 =	sadd.s32 $0x88, s3;
	s6 =	simm.s32 @!p1 $0x1082;
	[sflag:s4] =	ssyncset.s32 $0xFFFFF086  }
0x25: {  	[simem:s6], [sflag:s4] =	dma.local [hbm:s3], $0xF7A  }
0x26: {  	[smem:$0x3F9F] =	sst s1;
	(tag) =	ssettag s2;
	_ =	strace s9  }
0x27: {  	s1 =	sld [smem:$0x3FAF]  }
0x28: {  	s2 =	sld [smem:$0x3FB0]  }
0x29: {  	s4 =	sld [smem:$0x3FB2]  }
0x2a: {  	p0 =	seq.s32 s5, $0x0;
	s5 =	sld [smem:$0x3FB3]  }
0x2b: {  	s6 =	sld [smem:$0x3FB4]  }
0x2c: {  	s7 =	sld [smem:$0x3FB5]  }
0x2d: {  	s3 =	simm.s32 $0x108;
	s8 =	sld [smem:$0x3FB6]  }
0x2e: {  	s3 =	simm.s32 @!p0 $0x1082;
	s9 =	sld [smem:$0x3FB7]  }
0x2f: {  	lr =	sadd.s32 s0, s3;
	s0 =	sld [smem:$0x3FAE]  }
0x30: {  	s3 =	sld [smem:$0x3FB1]  }
0x31: {  	[smem:$0x3FBA] =	sst s10  }
0x32: {  	s10 =	sld [smem:$0x3FB8];
	_ =	sdelay $0x3  }
0x33: {  	p0 =	seq.s32 s10, $0x1;
	s10 =	sld [smem:$0x3FBA];
	_ =	sdelay $0x3  }
0x34: {  	[smem:$0x3FBA] =	sst s10  }
0x35: {  	s10 =	sld [smem:$0x3FB9];
	_ =	sdelay $0x3  }
0x36: {  	p1 =	seq.s32 s10, $0x1;
	s10 =	sld [smem:$0x3FBA];
	_ =	sdelay $0x3  }
0x37: {  	[smem:$0x3FBA] =	sst s10  }
0x38: {  	s10 =	sld [smem:$0x3FBB]  }
0x39: {  	_ = 	snop;
	(pc) =	sbr.ind lr, $3  }
0x3a: {  	_ = 	snop  }
0x3b: {  	_ = 	snop  }
0x3c: {  	p2 =	seq.s32 s10, $0x1;
	s10 =	sld [smem:$0x3FBA]  }
0x3d: {  	_ =	shalt  }
0x3e: {  	_ =	shalt  }
0x3f: {  	_ =	shalt  }
0x40: {  	_ =	shalt  }
0x41: {  	_ =	shalt  }
0x42: {  	_ =	shalt  }
0x43: {  	_ =	shalt  }
0x44: {  	_ =	shalt  }
0x45: {  	_ =	shalt  }
0x46: {  	_ =	shalt  }
0x47: {  	_ =	shalt  }
0x48: {  	_ =	shalt  }
0x49: {  	_ =	shalt  }
0x4a: {  	_ =	shalt  }
0x4b: {  	_ =	shalt  }
0x4c: {  	_ =	shalt  }
0x4d: {  	_ =	shalt  }
0x4e: {  	_ =	shalt  }
0x4f: {  	_ =	shalt  }
0x50: {  	_ =	shalt  }
0x51: {  	_ =	shalt  }
0x52: {  	_ =	shalt  }
0x53: {  	_ =	shalt  }
0x54: {  	_ =	shalt  }
0x55: {  	_ =	shalt  }
0x56: {  	_ =	shalt  }
0x57: {  	_ =	shalt  }
0x58: {  	_ =	shalt  }
0x59: {  	_ =	shalt  }
0x5a: {  	_ =	shalt  }
0x5b: {  	_ =	shalt  }
0x5c: {  	_ =	shalt  }
0x5d: {  	_ =	shalt  }
0x5e: {  	_ =	shalt  }
0x5f: {  	_ =	shalt  }
0x60: {  	_ =	shalt  }
0x61: {  	_ =	shalt  }
0x62: {  	_ =	shalt  }
0x63: {  	_ =	shalt  }
0x64: {  	_ =	shalt  }
0x65: {  	_ =	shalt  }
0x66: {  	_ =	shalt  }
0x67: {  	_ =	shalt  }
0x68: {  	_ =	shalt  }
0x69: {  	_ =	shalt  }
0x6a: {  	_ =	shalt  }
0x6b: {  	_ =	shalt  }
0x6c: {  	_ =	shalt  }
0x6d: {  	_ =	shalt  }
0x6e: {  	_ =	shalt  }
0x6f: {  	_ =	shalt  }
0x70: {  	_ =	shalt  }
0x71: {  	_ =	shalt  }
0x72: {  	_ =	shalt  }
0x73: {  	_ =	shalt  }
0x74: {  	_ =	shalt  }
0x75: {  	_ =	shalt  }
0x76: {  	_ =	shalt  }
0x77: {  	_ =	shalt  }
0x78: {  	_ =	shalt  }
0x79: {  	_ =	shalt  }
0x7a: {  	_ =	shalt  }
0x7b: {  	_ =	shalt  }
0x7c: {  	_ =	shalt  }
0x7d: {  	_ =	shalt  }
0x7e: {  	_ =	shalt  }
0x7f: {  	_ =	shalt  }
0x80: {  	_ =	shalt  }
0x81: {  	_ =	shalt  }
0x82: {  	_ =	shalt  }
0x83: {  	_ =	shalt  }
0x84: {  	_ =	shalt  }
0x85: {  	_ =	shalt  }
0x86: {  	_ =	shalt  }
0x87: {  	_ =	shalt  }
.Lfunc_end0:
.L_simem_size_0:
called_computation_lowered:
.L_overlay_start_0:
0x88: {  	s2 =	sld [smem:$0x3FD9]  }
0x89: {  	s3 =	sld [smem:$0x3FFE];
	_ =	sdelay $0x1  }
0x8a: {  	s1 =	srdreg.scid  }
0x8b: {  	s0 =	sand.u32 $0x1, s1  }
0x8c: {  	s17 =	sshll.u32 s0, $0xA;
	s2 =	sadd.s32 s3, s2  }
0x8d: {  	s2 =	sadd.s32 s2, s17  }
0x8e: {  	[smem:$0x3FC6] =	sst s2  }
0x8f: {  	_ = 	snop  }
0x90: {  	s2 =	sld [smem:$0x3FD0];
	(tm) =	ssettm $0x1  }
0x91: {  	s18 =	sld [smem:$0x3FFB];
	_ =	sdelay $0x3  }
0x92: {  	_ =	strace s18  }
0x93: {  	s3 =	sld [smem:$0x3FFC];
	_ =	sdelay $0x3  }
0x94: {  	_ =	strace s3  }
0x95: {  	s3 =	sld [smem:$0x3FFD];
	_ =	sdelay $0x3  }
0x96: {  	_ =	strace s3  }
0x97: {  	_ =	strace $0x8FFFFFFF  }
0x98: {  	s19 =	sld [smem:$0x3FDB];
	_ =	sdelay $0x1  }
0x99: {  	s4 =	simm.s32 $_scs_section_size  }
0x9a: {  	s5 =	simm.s32 $_size__tile_overlayer_lowered;
	s6 =	simm.s32 $_tile_overlayer_lowered  }
0x9b: {  	s22 =	simm.s32 $0x1BFF;
	s21 =	sshll.u32 s6, $0x1;
	s3 =	sadd.s32 s4, s19  }
0x9c: {  	s7 =	simm.s32 $0x0;
	s20 =	sshll.u32 s5, $0x1;
	s5 =	sadd.s32 s21, s3  }
0x9d: {  	[timem:s7], [sflag:s22] =	dma.local [hbm:s5], s20  }
0x9e: {  	_ =	swait.ge [sflag:s22], s20  }
0x9f: {  	s4 =	ssub.s32 $0x0, s20;
	[sflag:s22] =	ssyncset.done $0x0  }
0xa0: {  	[sflag:s22] =	ssyncadd.s32 s4;
	_ =	sdelay $0x1  }
0xa1: {  	s23 =	simm.s32 $0x1B8B  }
0xa2: {  	_ =	swait.ge [sflag:s23], $0x1  }
0xa3: {  	[sflag:s23] =	ssyncset.done $0x0  }
0xa4: {  	s25 =	simm.s32 $0x1B8E;
	s24 =	sld [smem:$0x3FFE];
	[sflag:s23] =	ssyncadd.s32 $0xFFFFFFFF  }
0xa5: {  	s26 =	simm.s32 $execute0_lowered;
	[smem:$0x3FD2] =	sst s25  }
0xa6: {  	s5 =	sshll.u32 s26, $0x1;
	_ =	strace $0x80000046;
	[dreg:$0x1] =	wrdreg $0xFFFFFFFF  }
0xa7: {  	s28 =	simm.s32 $_size_execute0_lowered;
	s3 =	sadd.s32 s3, s5;
	[dreg:$0x0] =	wrdreg $0x0  }
0xa8: {  	s5 =	sshll.u32 s28, $0x1;
	[dreg:$0x2] =	wrdreg s3  }
0xa9: {  	[dreg:$0x3] =	wrdreg s5  }
0xaa: {  	[dreg:$0x4] =	wrdreg $0xC0  }
0xab: {  	_ =	task [dreg:s7], $0x5FFFF  }
0xac: {  	[dreg:$0x1] =	wrdreg $0xFFFFFFFF  }
0xad: {  	[dreg:$0x0] =	wrdreg $0x60  }
0xae: {  	[dreg:$0x2] =	wrdreg s24  }
0xaf: {  	[dreg:$0x3] =	wrdreg s2  }
0xb0: {  	[dreg:$0x4] =	wrdreg $0x9  }
0xb1: {  	_ =	task.clear_ibuf [dreg:s7], $0x5FFFF;
	_ =	strace $0x90000046  }
0xb2: {  	s29 =	simm.s32 $0x9;
	_ =	strace $0x80000048  }
0xb3: {  	_ =	swait.ge [sflag:s29], $0x1  }
0xb4: {  	[sflag:s29] =	ssyncadd.s32 $0xFFFFFFFF  }
0xb5: {  	_ =	strace $0x90000048  }
0xb6: {  	_ =	sfence  }
0xb7: {  	s30 =	sld [smem:$0x0];
	_ =	sdelay $0x2  }
0xb8: {  	s31 =	sshll.u32 s1, $0xD;
	s1 =	sshrl.u32 s1, $0x2  }
0xb9: {  	s3 =	sand.u32 $0x4000, s31;
	s1 =	sadd.s32 s1, s30  }
0xba: {  	s0 =	sor.u32 s3, s0;
	s1 =	sshll.u32 s1, $0x11  }
0xbb: {  	s0 =	sor.u32 s1, s0  }
0xbc: {  	s0 =	sadd.s32 $0x8F2B, s0  }
0xbd: {  	[sflag:s0] =	ssyncadd.remote.s32 $0x1  }
0xbe: {  	_ =	sfence.sel $0xFFFF  }
0xbf: {  	[dreg:$0x0] =	wrdreg $0xFFFFFFFF;
	(pc) =	sbr.abs _section_cstart, $3  }
0xc0: {  	[dreg:$0x1] =	wrdreg $0xFFFFFFFF  }
0xc1: {  	_ =	task.clear_ibuf [dreg:s7], $0x2FFFF;
	_ =	strace $0x9FFFFFFF  }
0xc2: {  	(tm) =	ssettm $0x7FFFFFFF  }
0xc3: {  	_ =	shalt  }
tec
execute0_lowered:
.L_overlay_start_1:
0x0: {  	(tag) =	ssettag $0x1  }
0x1: {  	s0 =	rddreg [dreg:$0x0]  }
0x2: {  	s2 =	rddreg [dreg:$0x1];
	s1 =	srdreg.scid  }
0x3: {  	s4 =	stileid.u32;
	s3 =	simm.s32 $0x0;
	s12 =	simm.s32 $0x3  }
0x4: {  	s13 =	simm.s32 $0x50;
	s20 =	simm.s32 $0x140;
	s21 =	simm.s32 $0x8480  }
0x5: {  	s22 =	simm.s32 $0x190;
	s23 =	simm.s32 $0xA500;
	s24 =	simm.s32 $0x1E0  }
0x6: {  	s28 =	simm.s32 $0xE600;
	s29 =	simm.s32 $0x1;
	s30 =	simm.s32 $0x10680  }
0x7: {  	s31 =	simm.s32 $0x2;
	s1 =	sand.u32 $0x1, s1;
	s4 =	sshll.u32 s4, $0x1  }
0x8: {  	[smem:$0x7FF] =	sst s3;
	s6 =	ssub.s32 $0x2, s1;
	s1 =	sor.u32 s1, s4  }
0x9: {  	s5 =	sadd.s32 $0x600, s0;
	_ =	strace $0x80000047;
	s8 =	smul.u32 $0xA00, s1  }
.Ltmp0:
0xa: {  	s4 =	sadd.s32 $0xC66400, s0;
	s7 =	sshrl.u32 s6, $0x1;
	(pc) =	sbr.rel .LBB2_1-.Ltmp0, $4  }
0xb: {  	s0 =	simm.s32 $0x0;
	s10 =	sshll.u32 s1, $0x8;
	s25 =	ssub.s32 s6, s7  }
0xc: {  	s6 =	sshll.u32 s1, $0x9;
	s9 =	sor.u32 $0x8, s10;
	s7 =	sadd.s32 s4, s8  }
0xd: {  	s10 =	sor.u32 $0xC, s10;
	s11 =	smax.u32 s25, $0x1;
	s26 =	sadd.s32 $0x28, s7  }
0xe: {  	s25 =	simm.s32 $0xC580;
	[dreg:$0x3] =	wrdreg s26;
	s26 =	simm.s32 $0x230  }
.LBB2_12:
0xf: {  	s0 =	sadd.s32 $0x1, s0  }
0x10: {  	p0 =	sne.s32 s0, s11  }
.Ltmp1:
0x11: {  	_ = 	snop;
	(pc) =	sbr.rel @!p0 .LBB2_13-.Ltmp1, $1  }
0x12: {  	_ =	sdelay $0x3  }
.LBB2_1:
0x13: {  	[tilespmem:s3], [sflag:$0x3] =	stream.linear.gather [hbm4b:s7+s3], $0x140, $0x38;
	[tilespmem:$0x109A0] =	vst v63  }
0x14: {  	_ =	swait.ge [sflag:s12], $0x140  }
0x15: {  	[sflag:s12] =	ssyncset.done $0x0  }
0x16: {  	s1 =	simm.s32 $0x280;
	[sflag:s12] =	ssyncadd.s32 $0xFFFFFEC0  }
0x17: {  	[tilespmem:s1], [sflag:$0x1] =	stream.indirect.gather [hbm4b:s5+s13], $0x68, s3, s13, $0xb8;
	[tilespmem:$0x109A0] =	vst v63  }
0x18: {  	s15 =	simm.s32 $0x2300  }
0x19: {  	[tilespmem:s15], [sflag:$0x1] =	stream.indirect.gather [hbm4b:s5+s13], $0x68, s13, s13, $0xb8;
	[tilespmem:$0x109A0] =	vst v63  }
0x1a: {  	s16 =	simm.s32 $0xA0;
	s8 =	simm.s32 $0x4380  }
0x1b: {  	[tilespmem:s8], [sflag:$0x1] =	stream.indirect.gather [hbm4b:s5+s13], $0x68, s16, s13, $0xb8;
	[tilespmem:$0x109A0] =	vst v63  }
0x1c: {  	s17 =	simm.s32 $0xF0;
	s18 =	simm.s32 $0x6400  }
0x1d: {  	[tilespmem:s18], [sflag:$0x1] =	stream.indirect.gather [hbm4b:s5+s13], $0x68, s17, s13, $0xb8;
	[tilespmem:$0x109A0] =	vst v63  }
0x1e: {  	s19 =	rddreg [dreg:$0x3]  }
0x1f: {  	[tilespmem:s20], [sflag:$0x3] =	stream.linear.gather [hbm4b:s19+s3], $0x140, $0x38;
	[tilespmem:$0x109A0] =	vst v63  }
0x20: {  	_ =	swait.ge [sflag:s12], $0x140  }
0x21: {  	[sflag:s12] =	ssyncset.done $0x0  }
0x22: {  	[sflag:s12] =	ssyncadd.s32 $0xFFFFFEC0  }
0x23: {  	[tilespmem:s21], [sflag:$0x2] =	stream.indirect.gather [hbm4b:s5+s13], $0x68, s20, s13, $0xb8;
	[tilespmem:$0x109A0] =	vst v63  }
0x24: {  	_ = 	snop  }
0x25: {  	[tilespmem:s23], [sflag:$0x2] =	stream.indirect.gather [hbm4b:s5+s13], $0x68, s22, s13, $0xb8;
	[tilespmem:$0x109A0] =	vst v63  }
0x26: {  	_ = 	snop  }
0x27: {  	[tilespmem:s25], [sflag:$0x2] =	stream.indirect.gather [hbm4b:s5+s13], $0x68, s24, s13, $0xb8;
	[tilespmem:$0x109A0] =	vst v63  }
0x28: {  	s1 =	simm.s32 $0x0  }
0x29: {  	[tilespmem:s28], [sflag:$0x2] =	stream.indirect.gather [hbm4b:s5+s13], $0x68, s26, s13, $0xb8;
	[tilespmem:$0x109A0] =	vst v63  }
.LBB2_2:
0x2a: {  	_ =	swait.ge [sflag:s29], $0x2080  }
0x2b: {  	[sflag:s29] =	ssyncset.done $0x0  }
0x2c: {  	[sflag:s29] =	ssyncadd.s32 $0xFFFFDF80  }
0x2d: {  	_ =	swait.ge [sflag:s29], $0x2080  }
0x2e: {  	[sflag:s29] =	ssyncset.done $0x0  }
0x2f: {  	[sflag:s29] =	ssyncadd.s32 $0xFFFFDF80  }
0x30: {  	_ =	swait.ge [sflag:s29], $0x2080  }
0x31: {  	[sflag:s29] =	ssyncset.done $0x0  }
0x32: {  	[sflag:s29] =	ssyncadd.s32 $0xFFFFDF80  }
0x33: {  	_ =	swait.ge [sflag:s29], $0x2080  }
0x34: {  	[sflag:s29] =	ssyncset.done $0x0  }
0x35: {  	s14 =	simm.s32 $0x0;
	s15 =	simm.s32 $0x2B0;
	[sflag:s29] =	ssyncadd.s32 $0xFFFFDF80  }
.LBB2_3:
0x36: {  	v1 =	vmov s15;
	_ =	sdelay $0x3  }
0x37: {  	s18 =	simm.s32 $0x0  }
0x38: {  	v0 =	vld.idx.msk [tilespmem:v1+s18+$0x24 ss:$0x1], $0xffff  }
0x39: {  	v8 =	vld.idx.msk [tilespmem:v1+s18+$0xFFFFFFD0 ss:$0x1], $0xffff  }
0x3a: {  	v7 =	vld.idx.msk [tilespmem:v1+s18+$0xFFFFFFE0 ss:$0x1], $0xffff  }
0x3b: {  	v5 =	vld.idx.msk [tilespmem:v1+s18+$0xFFFFFFF0 ss:$0x1], $0xffff  }
0x3c: {  	v9 =	vimm.f32 $0.0e+00;
	v3 =	vld.idx.msk [tilespmem:v1+s18+$0x0 ss:$0x1], $0xffff  }
0x3d: {  	v12 =	vimm.f32 $0.0e+00;
	v11 =	vimm.f32 $0.0e+00;
	v13 =	vimm.f32 $0.0e+00;
	v2 =	vld.idx.msk [tilespmem:v1+s18+$0x10 ss:$0x1], $0xffff  }
0x3e: {  	s16 =	simm.s32 $0x68;
	s17 =	simm.s32 $0x340;
	v10 =	vimm.f32 $0.0e+00;
	v6 =	vimm.f32 $0.0e+00;
	v4 =	vld.idx.msk [tilespmem:v1+s18+$0x20 ss:$0x1], $0xffff;
	v0 =	vadd.f32 v0, v9  }
.LBB2_4:
0x3f: {  	p0 =	sne.s32 s17, $0x3F60;
	v14 =	vld.idx.msk [tilespmem:v1+s16+$0x24 ss:$0x1], $0xffff;
	v9 =	vadd.f32 v8, v9  }
0x40: {  	v12 =	vadd.f32 v7, v12;
	v8 =	vld.idx.msk [tilespmem:v1+s16+$0xFFFFFFD0 ss:$0x1], $0xffff  }
.Ltmp2:
0x41: {  	v11 =	vadd.f32 v5, v11;
	v7 =	vld.idx.msk [tilespmem:v1+s16+$0xFFFFFFE0 ss:$0x1], $0xffff;
	(pc) =	sbr.rel @p0 .LBB2_4-.Ltmp2, $4  }
0x42: {  	v13 =	vadd.f32 v3, v13;
	v5 =	vld.idx.msk [tilespmem:v1+s16+$0xFFFFFFF0 ss:$0x1], $0xffff  }
0x43: {  	v10 =	vadd.f32 v2, v10;
	v3 =	vld.idx.msk [tilespmem:v1+s16+$0x0 ss:$0x1], $0xffff  }
0x44: {  	v6 =	vadd.f32 v4, v6;
	v2 =	vld.idx.msk [tilespmem:v1+s16+$0x10 ss:$0x1], $0xffff  }
0x45: {  	v0 =	vadd.f32 v14, v0;
	v4 =	vld.idx.msk [tilespmem:v1+s16+$0x20 ss:$0x1], $0xffff;
	s16 =	sshra.s32 s17, $0x2;
	s17 =	sadd.s32 $0x1A0, s17  }
0x46: {  	_ =	sdelay $0x3  }
0x47: {  	v14 =	vld.idx.msk [tilespmem:v1+s16+$0xFFFFFFD0 ss:$0x1], $0xffff  }
0x48: {  	v15 =	vld.idx.msk [tilespmem:v1+s16+$0xFFFFFFE0 ss:$0x1], $0xffff  }
0x49: {  	v16 =	vld.idx.msk [tilespmem:v1+s16+$0xFFFFFFF0 ss:$0x1], $0xffff  }
0x4a: {  	v8 =	vadd.f32 v8, v9;
	v57 =	vld.idx.msk [tilespmem:v1+s16+$0x0 ss:$0x1], $0xffff  }
0x4b: {  	v7 =	vadd.f32 v7, v12;
	v58 =	vld.idx.msk [tilespmem:v1+s16+$0x10 ss:$0x1], $0xffff  }
0x4c: {  	v59 =	vld.idx.msk [tilespmem:v1+s16+$0x20 ss:$0x1], $0xffff;
	v5 =	vadd.f32 v5, v11;
	v8 =	vadd.f32 v14, v8  }
0x4d: {  	v60 =	vld.idx.msk [tilespmem:v1+s16+$0x24 ss:$0x1], $0xffff;
	v3 =	vadd.f32 v3, v13;
	v7 =	vadd.f32 v15, v7  }
0x4e: {  	s19 =	smul.u32 $0x64, s14;
	v2 =	vadd.f32 v2, v10;
	v5 =	vadd.f32 v16, v5;
	v8 =	vmul.f32 $2.500000040e-02, v8  }
0x4f: {  	v4 =	vadd.f32 v4, v6;
	v3 =	vadd.f32 v57, v3;
	v61 =	vmul.f32 $2.500000040e-02, v7  }
0x50: {  	s14 =	sadd.s32 $0x1, s14;
	s17 =	sand.u32 $0x3FC, s19;
	v2 =	vadd.f32 v58, v2;
	v5 =	vmul.f32 $2.500000040e-02, v5;
	[tilespmem:s19+$0x10680] =	vst v8  }
0x51: {  	p0 =	sne.s32 s14, $0x8;
	v4 =	vadd.f32 v59, v4;
	v3 =	vmul.f32 $2.500000040e-02, v3;
	[tilespmem:s17+$0x10690] =	vst v61  }
.Ltmp3:
0x52: {  	v0 =	vadd.f32 v60, v0;
	v62 =	vmul.f32 $2.500000040e-02, v2;
	[tilespmem:s17+$0x106A0] =	vst v5;
	(pc) =	sbr.rel @p0 .LBB2_3-.Ltmp3, $4  }
0x53: {  	v63 =	vmul.f32 $2.500000040e-02, v4;
	[tilespmem:s17+$0x106B0] =	vst v3  }
0x54: {  	v0 =	vmul.f32 $2.500000040e-02, v0;
	[tilespmem:s17+$0x106C0] =	vst v62  }
0x55: {  	[tilespmem:s17+$0x106D0] =	vst v63  }
0x56: {  	s15 =	sadd.s32 $0x1040, s15;
	[tilespmem:s19+$0x106D4] =	vst v0  }
0x57: {  	s15 =	sshll.u32 s1, $0x4  }
0x58: {  	s14 =	sadd.s32 s6, s15  }
0x59: {  	s14 =	smul.u32 $0x64, s14;
	_ =	sdelay $0x1  }
0x5a: {  	s14 =	sshrl.u32 s14, $0x3  }
0x5b: {  	s14 =	sadd.s32 s2, s14  }
0x5c: {  	[hbm4b:s14+s3] =	stream.linear.scatter [tilespmem:s30], [sflag:$0x3], $0x320, $0x38;
	[tilespmem:$0x109A0] =	vst v63  }
0x5d: {  	p0 =	seq.s32 s1, $0x1F;
	s14 =	sshll.u32 s1, $0x3  }
0x5e: {  	s16 =	sadd.s32 @!p0 s14, s9  }
0x5f: {  	_ =	swait.ge [sflag:s12], $0x320;
	s16 =	smul.u32 @!p0 $0xA, s16  }
0x60: {  	[sflag:s12] =	ssyncset.done $0x0  }
0x61: {  	s17 =	simm.s32 @!p0 $0x0;
	[sflag:s12] =	ssyncadd.s32 $0xFFFFFCE0;
	s16 =	sadd.s32 @!p0 s4, s16  }
0x62: {  	[tilespmem:s17], [sflag:$0x3] =	stream.linear.gather @!p0 [hbm4b:s16+s17], $0x140, $0x38;
	[tilespmem:$0x109A0] =	vst v63  }
0x63: {  	s16 =	simm.s32 @!p0 $0x3  }
0x64: {  	_ =	swait.ge @!p0 [sflag:s16], $0x140  }
0x65: {  	[sflag:s16] =	ssyncset.done @!p0 $0x0  }
0x66: {  	s18 =	simm.s32 @!p0 $0x280;
	[sflag:s16] =	ssyncadd.s32 @!p0 $0xFFFFFEC0;
	s16 =	simm.s32 @!p0 $0x50  }
0x67: {  	[tilespmem:s18], [sflag:$0x1] =	stream.indirect.gather @!p0 [hbm4b:s5+s16], $0x68, s17, s16, $0xb8;
	[tilespmem:$0x109A0] =	vst v63  }
0x68: {  	s17 =	simm.s32 @!p0 $0x2300  }
0x69: {  	[tilespmem:s17], [sflag:$0x1] =	stream.indirect.gather @!p0 [hbm4b:s5+s16], $0x68, s16, s16, $0xb8;
	[tilespmem:$0x109A0] =	vst v63  }
0x6a: {  	s18 =	simm.s32 @!p0 $0x4380;
	s17 =	simm.s32 @!p0 $0xA0  }
0x6b: {  	[tilespmem:s18], [sflag:$0x1] =	stream.indirect.gather @!p0 [hbm4b:s5+s16], $0x68, s17, s16, $0xb8;
	[tilespmem:$0x109A0] =	vst v63  }
0x6c: {  	s17 =	simm.s32 @!p0 $0xF0;
	s18 =	simm.s32 @!p0 $0x6400  }
0x6d: {  	[tilespmem:s18], [sflag:$0x1] =	stream.indirect.gather @!p0 [hbm4b:s5+s16], $0x68, s17, s16, $0xb8;
	[tilespmem:$0x109A0] =	vst v63  }
0x6e: {  	_ =	swait.ge [sflag:s31], $0x2080  }
0x6f: {  	[sflag:s31] =	ssyncset.done $0x0  }
0x70: {  	[sflag:s31] =	ssyncadd.s32 $0xFFFFDF80  }
0x71: {  	_ =	swait.ge [sflag:s31], $0x2080  }
0x72: {  	[sflag:s31] =	ssyncset.done $0x0  }
0x73: {  	[sflag:s31] =	ssyncadd.s32 $0xFFFFDF80  }
0x74: {  	_ =	swait.ge [sflag:s31], $0x2080  }
0x75: {  	[sflag:s31] =	ssyncset.done $0x0  }
0x76: {  	[sflag:s31] =	ssyncadd.s32 $0xFFFFDF80  }
0x77: {  	_ =	swait.ge [sflag:s31], $0x2080  }
0x78: {  	[sflag:s31] =	ssyncset.done $0x0  }
0x79: {  	s16 =	simm.s32 $0x0;
	s17 =	simm.s32 $0x280;
	[sflag:s31] =	ssyncadd.s32 $0xFFFFDF80  }
.LBB2_7:
0x7a: {  	v1 =	vmov s17;
	_ =	sdelay $0x3  }
0x7b: {  	s8 =	simm.s32 $0x0  }
0x7c: {  	v0 =	vld.idx.msk [tilespmem:v1+s8+$0x8254 ss:$0x1], $0xffff  }
0x7d: {  	v8 =	vld.idx.msk [tilespmem:v1+s8+$0x8200 ss:$0x1], $0xffff  }
0x7e: {  	v7 =	vld.idx.msk [tilespmem:v1+s8+$0x8210 ss:$0x1], $0xffff  }
0x7f: {  	v5 =	vld.idx.msk [tilespmem:v1+s8+$0x8220 ss:$0x1], $0xffff  }
0x80: {  	v9 =	vimm.f32 $0.0e+00;
	v3 =	vld.idx.msk [tilespmem:v1+s8+$0x8230 ss:$0x1], $0xffff  }
0x81: {  	v12 =	vimm.f32 $0.0e+00;
	v11 =	vimm.f32 $0.0e+00;
	v13 =	vimm.f32 $0.0e+00;
	v2 =	vld.idx.msk [tilespmem:v1+s8+$0x8240 ss:$0x1], $0xffff  }
0x82: {  	s18 =	simm.s32 $0x68;
	s19 =	simm.s32 $0x340;
	v10 =	vimm.f32 $0.0e+00;
	v6 =	vimm.f32 $0.0e+00;
	v4 =	vld.idx.msk [tilespmem:v1+s8+$0x8250 ss:$0x1], $0xffff;
	v0 =	vadd.f32 v0, v9  }
.LBB2_8:
0x83: {  	p1 =	sne.s32 s19, $0x3F60;
	v14 =	vld.idx.msk [tilespmem:v1+s18+$0x8254 ss:$0x1], $0xffff;
	v9 =	vadd.f32 v8, v9  }
0x84: {  	v12 =	vadd.f32 v7, v12;
	v8 =	vld.idx.msk [tilespmem:v1+s18+$0x8200 ss:$0x1], $0xffff  }
.Ltmp4:
0x85: {  	v11 =	vadd.f32 v5, v11;
	v7 =	vld.idx.msk [tilespmem:v1+s18+$0x8210 ss:$0x1], $0xffff;
	(pc) =	sbr.rel @p1 .LBB2_8-.Ltmp4, $4  }
0x86: {  	v13 =	vadd.f32 v3, v13;
	v5 =	vld.idx.msk [tilespmem:v1+s18+$0x8220 ss:$0x1], $0xffff  }
0x87: {  	v10 =	vadd.f32 v2, v10;
	v3 =	vld.idx.msk [tilespmem:v1+s18+$0x8230 ss:$0x1], $0xffff  }
0x88: {  	v6 =	vadd.f32 v4, v6;
	v2 =	vld.idx.msk [tilespmem:v1+s18+$0x8240 ss:$0x1], $0xffff  }
0x89: {  	v0 =	vadd.f32 v14, v0;
	v4 =	vld.idx.msk [tilespmem:v1+s18+$0x8250 ss:$0x1], $0xffff;
	s18 =	sshra.s32 s19, $0x2;
	s19 =	sadd.s32 $0x1A0, s19  }
0x8a: {  	_ =	sdelay $0x3  }
0x8b: {  	v14 =	vld.idx.msk [tilespmem:v1+s18+$0x8200 ss:$0x1], $0xffff  }
0x8c: {  	v15 =	vld.idx.msk [tilespmem:v1+s18+$0x8210 ss:$0x1], $0xffff  }
0x8d: {  	v16 =	vld.idx.msk [tilespmem:v1+s18+$0x8220 ss:$0x1], $0xffff  }
0x8e: {  	v8 =	vadd.f32 v8, v9;
	v57 =	vld.idx.msk [tilespmem:v1+s18+$0x8230 ss:$0x1], $0xffff  }
0x8f: {  	v7 =	vadd.f32 v7, v12;
	v58 =	vld.idx.msk [tilespmem:v1+s18+$0x8240 ss:$0x1], $0xffff  }
0x90: {  	v59 =	vld.idx.msk [tilespmem:v1+s18+$0x8250 ss:$0x1], $0xffff;
	v5 =	vadd.f32 v5, v11;
	v8 =	vadd.f32 v14, v8  }
0x91: {  	v60 =	vld.idx.msk [tilespmem:v1+s18+$0x8254 ss:$0x1], $0xffff;
	v3 =	vadd.f32 v3, v13;
	v7 =	vadd.f32 v15, v7  }
0x92: {  	s8 =	smul.u32 $0x64, s16;
	v2 =	vadd.f32 v2, v10;
	v5 =	vadd.f32 v16, v5;
	v8 =	vmul.f32 $2.500000040e-02, v8  }
0x93: {  	v4 =	vadd.f32 v4, v6;
	v3 =	vadd.f32 v57, v3;
	v61 =	vmul.f32 $2.500000040e-02, v7  }
0x94: {  	s16 =	sadd.s32 $0x1, s16;
	s19 =	sand.u32 $0x3FC, s8;
	v2 =	vadd.f32 v58, v2;
	v5 =	vmul.f32 $2.500000040e-02, v5;
	[tilespmem:s8+$0x10680] =	vst v8  }
0x95: {  	p1 =	sne.s32 s16, $0x8;
	v4 =	vadd.f32 v59, v4;
	v3 =	vmul.f32 $2.500000040e-02, v3;
	[tilespmem:s19+$0x10690] =	vst v61  }
.Ltmp5:
0x96: {  	v0 =	vadd.f32 v60, v0;
	v62 =	vmul.f32 $2.500000040e-02, v2;
	[tilespmem:s19+$0x106A0] =	vst v5;
	(pc) =	sbr.rel @p1 .LBB2_7-.Ltmp5, $4  }
0x97: {  	v63 =	vmul.f32 $2.500000040e-02, v4;
	[tilespmem:s19+$0x106B0] =	vst v3  }
0x98: {  	v0 =	vmul.f32 $2.500000040e-02, v0;
	[tilespmem:s19+$0x106C0] =	vst v62  }
0x99: {  	[tilespmem:s19+$0x106D0] =	vst v63  }
0x9a: {  	s17 =	sadd.s32 $0x1040, s17;
	[tilespmem:s8+$0x106D4] =	vst v0  }
0x9b: {  	s8 =	sadd.s32 s15, s6  }
0x9c: {  	s8 =	smul.u32 $0x64, s8;
	_ =	sdelay $0x1  }
0x9d: {  	s8 =	sadd.s32 $0x320, s8  }
0x9e: {  	s8 =	sshrl.u32 s8, $0x3  }
.Ltmp6:
0x9f: {  	s8 =	sadd.s32 s2, s8;
	(pc) =	sbr.rel @p0 .LBB2_12-.Ltmp6, $4  }
0xa0: {  	[hbm4b:s8+s3] =	stream.linear.scatter [tilespmem:s30], [sflag:$0x3], $0x320, $0x38;
	[tilespmem:$0x109A0] =	vst v63  }
0xa1: {  	_ =	swait.ge [sflag:s12], $0x320  }
0xa2: {  	[sflag:s12] =	ssyncset.done $0x0  }
0xa3: {  	[sflag:s12] =	ssyncadd.s32 $0xFFFFFCE0  }
0xa4: {  	s8 =	sadd.s32 s14, s10  }
0xa5: {  	s8 =	smul.u32 $0xA, s8;
	_ =	sdelay $0x1  }
0xa6: {  	s8 =	sadd.s32 s4, s8  }
0xa7: {  	[tilespmem:s20], [sflag:$0x3] =	stream.linear.gather [hbm4b:s8+s3], $0x140, $0x38;
	[tilespmem:$0x109A0] =	vst v63  }
0xa8: {  	_ =	swait.ge [sflag:s12], $0x140  }
0xa9: {  	[sflag:s12] =	ssyncset.done $0x0  }
0xaa: {  	[sflag:s12] =	ssyncadd.s32 $0xFFFFFEC0  }
0xab: {  	[tilespmem:s21], [sflag:$0x2] =	stream.indirect.gather [hbm4b:s5+s13], $0x68, s20, s13, $0xb8;
	[tilespmem:$0x109A0] =	vst v63  }
0xac: {  	_ = 	snop  }
0xad: {  	[tilespmem:s23], [sflag:$0x2] =	stream.indirect.gather [hbm4b:s5+s13], $0x68, s22, s13, $0xb8;
	[tilespmem:$0x109A0] =	vst v63  }
.Ltmp7:
0xae: {  	_ = 	snop;
	(pc) =	sbr.rel .LBB2_2-.Ltmp7, $4  }
0xaf: {  	_ = 	snop  }
0xb0: {  	[tilespmem:s25], [sflag:$0x2] =	stream.indirect.gather [hbm4b:s5+s13], $0x68, s24, s13, $0xb8;
	[tilespmem:$0x109A0] =	vst v63  }
0xb1: {  	s1 =	sadd.s32 $0x1, s1  }
0xb2: {  	[tilespmem:s28], [sflag:$0x2] =	stream.indirect.gather [hbm4b:s5+s13], $0x68, s26, s13, $0xb8;
	[tilespmem:$0x109A0] =	vst v63  }
.LBB2_13:
0xb3: {  	_ =	sfence.sel $0x180000  }
0xb4: {  	[bflag:$0x0] =	sbarrier.arrive $0xFFFF  }
0xb5: {  	_ =	strace $0x90000047  }
0xb6: {  	s0 =	stileid.u32;
	[bflag:$0x2] =	sbarrier.arrive $0xFFFF  }
0xb7: {  	p0 =	sne.s32 s0, $0x0;
	s0 =	rddreg [dreg:$0x2]  }
0xb8: {  	s0 =	sadd.s32 @!p0 $0x100000, s0  }
0xb9: {  	[sflag:s0] =	ssyncadd.tile.s32 @!p0 $0x1;
	_ =	shalt  }
.Lfunc_end2:
_tile_overlayer_lowered:
.L_overlay_start_2:
0xba: {  	(tag) =	ssettag $0x2  }
0xbb: {  	s0 =	rddreg [dreg:$0x0];
	s2 =	stileid.u32  }
0xbc: {  	s1 =	rddreg [dreg:$0x1];
	p0 =	sne.s32 s2, $0x0  }
0xbd: {  	s3 =	rddreg [dreg:$0x2];
	[bflag:$0x3] =	sbarrier.arrive $0xFFFF;
	s2 =	simm.s32 @!p0 $0x1C03  }
0xbe: {  	[timem:s3], [sflag:s2] =	dma.local @!p0 [hbm:s0], s1  }
0xbf: {  	s0 =	simm.s32 @!p0 $0x3  }
0xc0: {  	_ =	swait.ge @!p0 [sflag:s0], s1  }
0xc1: {  	s1 =	ssub.s32 @!p0 $0x0, s1;
	[sflag:s0] =	ssyncset.done @!p0 $0x0  }
0xc2: {  	[sflag:s0] =	ssyncadd.s32 @!p0 s1  }
0xc3: {  	[bflag:$0x3] =	sbarrier.arrive $0xFFFF  }
0xc4: {  	_ =	shalt  }

</sc_bundles>
